<compile_context>
chip_gen: v7x
topology: tpu7x:2x2x1
jax: 0.10.2.dev20260603
libtpu: 0.0.44.dev20260713+nightly
codegen_flags: <defaults>
</compile_context>

<pallas_src>
import functools

import jax
import jax.numpy as jnp
from jax import lax
from jax.experimental import pallas as pl
from jax.experimental.pallas import tpu as pltpu
from jax.experimental.pallas import tpu_sc as plsc

T, B, C = 576, 64, 768
KEEP = 144
N_OUT = KEEP * B
L = 16

NC, NS = 2, 16
NW = NC * NS
ROWS_PER_W = N_OUT // NW
CHUNK = 16
NCHUNK = ROWS_PER_W // CHUNK
NBUF = 8


@functools.partial(
    pl.kernel,
    out_type=jax.ShapeDtypeStruct((N_OUT, C), jnp.float32),
    mesh=plsc.VectorSubcoreMesh(core_axis_name="c", subcore_axis_name="s"),
    scratch_types=(
        pltpu.VMEM((ROWS_PER_W,), jnp.int32),
        pltpu.VMEM((ROWS_PER_W,), jnp.int32),
        [pltpu.VMEM((CHUNK, C), jnp.float32) for _ in range(NBUF)],
        [pltpu.SemaphoreType.DMA for _ in range(NBUF)],
        [pltpu.SemaphoreType.DMA for _ in range(NBUF)],
    ),
)
def _gather_rows(fwd_hbm, table_hbm, out_hbm, raw_v, idx_v, bufs, gsems, ssems):
    wid = lax.axis_index("s") * NC + lax.axis_index("c")
    base = wid * ROWS_PER_W

    pltpu.sync_copy(fwd_hbm.at[pl.ds(base, ROWS_PER_W)], raw_v)

    lane = lax.iota(jnp.int32, L)

    gathers = [None] * NCHUNK
    stores = [None] * NCHUNK

    def start_store(d):
        bd = bufs[d % NBUF]
        gathers[d].wait()
        stores[d] = pltpu.async_copy(
            bd, out_hbm.at[pl.ds(base + d * CHUNK, CHUNK)], ssems[d % NBUF])

    for c in range(NCHUNK):
        jbase = lax.rem(base + c * CHUNK, B)
        idx_v[pl.ds(c * CHUNK, CHUNK)] = (
            raw_v[pl.ds(c * CHUNK, CHUNK)] * B + jbase + lane)
        if c >= NBUF:
            stores[c - NBUF].wait()
        gathers[c] = pltpu.async_copy(
            table_hbm.at[idx_v.at[pl.ds(c * CHUNK, CHUNK)]],
            bufs[c % NBUF], gsems[c % NBUF])
        if c >= NBUF - 1:
            start_store(c - (NBUF - 1))
    for d in range(NCHUNK - NBUF + 1, NCHUNK):
        start_store(d)
    for d in range(NCHUNK - NBUF, NCHUNK):
        stores[d].wait()


def kernel(patches, forward_indexes, backward_indexes):
    table = patches.reshape(T * B, C)
    fwd_flat = forward_indexes[:KEEP].reshape(-1)
    out = _gather_rows(fwd_flat, table)
    return out.reshape(KEEP, B, C), backward_indexes

# --- scband reference (transcript-rebuilt; emitter-appended) ---
"""Pipeline reference for scband-patch-shuffle-60447369724273 (READ-ONLY COPY).

The authoritative reference and input builder live on the scoring server;
editing this copy changes nothing except your own understanding.
"""

import jax, jax.numpy as jnp
import numpy as np

T, B, C = 576, 64, 768
MASK_RATIO = 0.75


def setup_inputs(seed: int = 0) -> dict:
    key = jax.random.key(seed)
    k1, k2 = jax.random.split(key)
    patches = jax.random.normal(k1, (T, B, C), dtype=jnp.float32)
    # The torch module generates random permutations inside forward (numpy.random).
    # For a deterministic reference we materialize them here as extra inputs.
    keys = jax.random.split(k2, B)
    fwd = jnp.stack([jax.random.permutation(keys[i], T) for i in range(B)], axis=-1).astype(jnp.int32)  # (T, B)
    bwd = jnp.argsort(fwd, axis=0).astype(jnp.int32)  # (T, B)
    return {"patches": patches, "forward_indexes": fwd, "backward_indexes": bwd}


def reference(patches, forward_indexes, backward_indexes):
    # TensorGather2D: output[i,j,k] = input[forward_indexes[i,j], j, k]
    shuffled = jnp.take_along_axis(patches, forward_indexes[:, :, None], axis=0)
    keep = int(T * (1 - MASK_RATIO))
    unmasked = shuffled[:keep]
    return (unmasked, backward_indexes)

if __name__ == "__main__":
    import jax
    _d = setup_inputs()
    print(jax.jit(kernel)(*tuple(_d.values())))

</pallas_src>

<mosaic_0001>
#map = affine_map<(d0, d1) -> (0)>
#map1 = affine_map<(d0, d1) -> (0, 0)>
module attributes {stable_mosaic.version = 14 : i64} {
  func.func @_gather_rows(%arg0: i32, %arg1: i32, %arg2: memref<9216xi32, #tpu.memory_space<hbm>>, %arg3: memref<36864x768xf32, #tpu.memory_space<hbm>>, %arg4: memref<9216x768xf32, #tpu.memory_space<hbm>>, %arg5: memref<288xi32, #tpu.memory_space<vmem>>, %arg6: memref<288xi32, #tpu.memory_space<vmem>>, %arg7: memref<16x768xf32, #tpu.memory_space<vmem>>, %arg8: memref<16x768xf32, #tpu.memory_space<vmem>>, %arg9: memref<16x768xf32, #tpu.memory_space<vmem>>, %arg10: memref<16x768xf32, #tpu.memory_space<vmem>>, %arg11: memref<16x768xf32, #tpu.memory_space<vmem>>, %arg12: memref<16x768xf32, #tpu.memory_space<vmem>>, %arg13: memref<16x768xf32, #tpu.memory_space<vmem>>, %arg14: memref<16x768xf32, #tpu.memory_space<vmem>>, %arg15: memref<!tpu.dma_semaphore, #tpu.memory_space<semaphore_mem>>, %arg16: memref<!tpu.dma_semaphore, #tpu.memory_space<semaphore_mem>>, %arg17: memref<!tpu.dma_semaphore, #tpu.memory_space<semaphore_mem>>, %arg18: memref<!tpu.dma_semaphore, #tpu.memory_space<semaphore_mem>>, %arg19: memref<!tpu.dma_semaphore, #tpu.memory_space<semaphore_mem>>, %arg20: memref<!tpu.dma_semaphore, #tpu.memory_space<semaphore_mem>>, %arg21: memref<!tpu.dma_semaphore, #tpu.memory_space<semaphore_mem>>, %arg22: memref<!tpu.dma_semaphore, #tpu.memory_space<semaphore_mem>>, %arg23: memref<!tpu.dma_semaphore, #tpu.memory_space<semaphore_mem>>, %arg24: memref<!tpu.dma_semaphore, #tpu.memory_space<semaphore_mem>>, %arg25: memref<!tpu.dma_semaphore, #tpu.memory_space<semaphore_mem>>, %arg26: memref<!tpu.dma_semaphore, #tpu.memory_space<semaphore_mem>>, %arg27: memref<!tpu.dma_semaphore, #tpu.memory_space<semaphore_mem>>, %arg28: memref<!tpu.dma_semaphore, #tpu.memory_space<semaphore_mem>>, %arg29: memref<!tpu.dma_semaphore, #tpu.memory_space<semaphore_mem>>, %arg30: memref<!tpu.dma_semaphore, #tpu.memory_space<semaphore_mem>>) attributes {dimension_semantics = [#tpu.dimension_semantics<core_parallel>, #tpu.dimension_semantics<subcore_parallel>], iteration_bounds = array<i64: 2, 16>, scalar_prefetch = 0 : i64, scratch_operands = 26 : i64, tpu.core_type = #tpu.core_type<sc_vector_subcore>, window_params = [{transform_indices = #map}, {transform_indices = #map1}, {transform_indices = #map1}]} {
    %mul3A = arith.constant 2 : i32
    %mul3A_0 = arith.muli %arg1, %mul3A : i32
    %add3A = arith.addi %mul3A_0, %arg0 : i32
    %mul3A_1 = arith.constant 288 : i32
    %mul3A_2 = arith.muli %add3A, %mul3A_1 : i32
    "tpu.region"() ({
      %run_scoped3A = tpu.sem_alloc : memref<!tpu.dma_semaphore, #tpu.memory_space<semaphore_mem>>
      %dma_start3A_664 = tpu.memref_slice %arg2[%mul3A_2] : memref<9216xi32, #tpu.memory_space<hbm>> -> memref<288xi32, #tpu.memory_space<hbm>>
      %dma_start3A_665 = tpu.memref_slice %arg2[%mul3A_2] : memref<9216xi32, #tpu.memory_space<hbm>> -> memref<288xi32, #tpu.memory_space<hbm>>
      tpu.enqueue_dma source(%dma_start3A_665 : memref<288xi32, #tpu.memory_space<hbm>>) target(%arg5 : memref<288xi32, #tpu.memory_space<vmem>>) target_semaphore(%run_scoped3A : memref<!tpu.dma_semaphore, #tpu.memory_space<semaphore_mem>>)
      %dma_wait3A_666 = tpu.memref_slice %arg2[%mul3A_2] : memref<9216xi32, #tpu.memory_space<hbm>> -> memref<288xi32, #tpu.memory_space<hbm>>
      %dma_wait3A_667 = tpu.memref_slice %arg2[%mul3A_2] : memref<9216xi32, #tpu.memory_space<hbm>> -> memref<288xi32, #tpu.memory_space<hbm>>
      tpu.wait_dma2 semaphore(%run_scoped3A : memref<!tpu.dma_semaphore, #tpu.memory_space<semaphore_mem>>) src(%dma_wait3A_667 : memref<288xi32, #tpu.memory_space<hbm>>) dst(%arg5 : memref<288xi32, #tpu.memory_space<vmem>>)
      tpu.yield
    }) : () -> ()
    %iota3A = tpu.iota {dimensions = array<i32: 0>} : vector<16xi32>
    %add3A_3 = arith.constant 0 : i32
    %add3A_4 = arith.addi %mul3A_2, %add3A_3 : i32
    %rem3A = arith.constant 64 : i32
    %rem3A_5 = arith.remsi %add3A_4, %rem3A : i32
    %get3A = arith.constant 0 : index
    %get3A_6 = tpu.vector_load %arg5[%get3A] {strides = array<i32>} : memref<288xi32, #tpu.memory_space<vmem>>, vector<16xi32>,
    %get3A_7 = vector.shape_cast %get3A_6 : vector<16xi32> to vector<16xi32>
    %mul3A_8 = arith.constant 64 : i32
    %mul3A_9 = vector.broadcast %mul3A_8 : i32 to vector<16xi32>
    %mul3A_10 = arith.muli %get3A_7, %mul3A_9 : vector<16xi32>
    %add3A_11 = vector.broadcast %rem3A_5 : i32 to vector<16xi32>
    %add3A_12 = arith.addi %mul3A_10, %add3A_11 : vector<16xi32>
    %add3A_13 = arith.addi %add3A_12, %iota3A : vector<16xi32>
    %swap3A = arith.constant 0 : index
    %swap3A_14 = tpu.vector_load %arg6[%swap3A] {strides = array<i32>} : memref<288xi32, #tpu.memory_space<vmem>>, vector<16xi32>,
    %swap3A_15 = vector.shape_cast %swap3A_14 : vector<16xi32> to vector<16xi32>
    %swap3A_16 = vector.shape_cast %add3A_13 : vector<16xi32> to vector<16xi32>
    tpu.vector_store %arg6[%swap3A], %swap3A_16 {strides = array<i32>} : memref<288xi32, #tpu.memory_space<vmem>>, vector<16xi32>,
    %dma_start3A = arith.constant 0 : i32
    %dma_start3A_17 = tpu.memref_slice %arg6[%dma_start3A] : memref<288xi32, #tpu.memory_space<vmem>> -> memref<16xi32, #tpu.memory_space<vmem>>
    %dma_start3A_18 = arith.constant 0 : i32
    %dma_start3A_19 = arith.constant 0 : i32
    %dma_start3A_20 = tpu.memref_slice %arg3[%dma_start3A_18, %dma_start3A_19] : memref<36864x768xf32, #tpu.memory_space<hbm>> -> memref<36864x768xf32, #tpu.memory_space<hbm>>
    tpu.enqueue_indirect_dma source(%dma_start3A_20 : memref<36864x768xf32, #tpu.memory_space<hbm>>) target(%arg7 : memref<16x768xf32, #tpu.memory_space<vmem>>) offsets(%dma_start3A_17 : memref<16xi32, #tpu.memory_space<vmem>>) semaphore(%arg15 : memref<!tpu.dma_semaphore, #tpu.memory_space<semaphore_mem>>)
    %add3A_21 = arith.constant 16 : i32
    %add3A_22 = arith.addi %mul3A_2, %add3A_21 : i32
    %rem3A_23 = arith.constant 64 : i32
    %rem3A_24 = arith.remsi %add3A_22, %rem3A_23 : i32
    %get3A_25 = arith.constant 16 : index
    %get3A_26 = tpu.vector_load %arg5[%get3A_25] {strides = array<i32>} : memref<288xi32, #tpu.memory_space<vmem>>, vector<16xi32>,
    %get3A_27 = vector.shape_cast %get3A_26 : vector<16xi32> to vector<16xi32>
    %mul3A_28 = arith.constant 64 : i32
    %mul3A_29 = vector.broadcast %mul3A_28 : i32 to vector<16xi32>
    %mul3A_30 = arith.muli %get3A_27, %mul3A_29 : vector<16xi32>
    %add3A_31 = vector.broadcast %rem3A_24 : i32 to vector<16xi32>
    %add3A_32 = arith.addi %mul3A_30, %add3A_31 : vector<16xi32>
    %add3A_33 = arith.addi %add3A_32, %iota3A : vector<16xi32>
    %swap3A_34 = arith.constant 16 : index
    %swap3A_35 = tpu.vector_load %arg6[%swap3A_34] {strides = array<i32>} : memref<288xi32, #tpu.memory_space<vmem>>, vector<16xi32>,
    %swap3A_36 = vector.shape_cast %swap3A_35 : vector<16xi32> to vector<16xi32>
    %swap3A_37 = vector.shape_cast %add3A_33 : vector<16xi32> to vector<16xi32>
    tpu.vector_store %arg6[%swap3A_34], %swap3A_37 {strides = array<i32>} : memref<288xi32, #tpu.memory_space<vmem>>, vector<16xi32>,
    %dma_start3A_38 = arith.constant 16 : i32
    %dma_start3A_39 = tpu.memref_slice %arg6[%dma_start3A_38] : memref<288xi32, #tpu.memory_space<vmem>> -> memref<16xi32, #tpu.memory_space<vmem>>
    %dma_start3A_40 = arith.constant 0 : i32
    %dma_start3A_41 = arith.constant 0 : i32
    %dma_start3A_42 = tpu.memref_slice %arg3[%dma_start3A_40, %dma_start3A_41] : memref<36864x768xf32, #tpu.memory_space<hbm>> -> memref<36864x768xf32, #tpu.memory_space<hbm>>
    tpu.enqueue_indirect_dma source(%dma_start3A_42 : memref<36864x768xf32, #tpu.memory_space<hbm>>) target(%arg8 : memref<16x768xf32, #tpu.memory_space<vmem>>) offsets(%dma_start3A_39 : memref<16xi32, #tpu.memory_space<vmem>>) semaphore(%arg16 : memref<!tpu.dma_semaphore, #tpu.memory_space<semaphore_mem>>)
    %add3A_43 = arith.constant 32 : i32
    %add3A_44 = arith.addi %mul3A_2, %add3A_43 : i32
    %rem3A_45 = arith.constant 64 : i32
    %rem3A_46 = arith.remsi %add3A_44, %rem3A_45 : i32
    %get3A_47 = arith.constant 32 : index
    %get3A_48 = tpu.vector_load %arg5[%get3A_47] {strides = array<i32>} : memref<288xi32, #tpu.memory_space<vmem>>, vector<16xi32>,
    %get3A_49 = vector.shape_cast %get3A_48 : vector<16xi32> to vector<16xi32>
    %mul3A_50 = arith.constant 64 : i32
    %mul3A_51 = vector.broadcast %mul3A_50 : i32 to vector<16xi32>
    %mul3A_52 = arith.muli %get3A_49, %mul3A_51 : vector<16xi32>
    %add3A_53 = vector.broadcast %rem3A_46 : i32 to vector<16xi32>
    %add3A_54 = arith.addi %mul3A_52, %add3A_53 : vector<16xi32>
    %add3A_55 = arith.addi %add3A_54, %iota3A : vector<16xi32>
    %swap3A_56 = arith.constant 32 : index
    %swap3A_57 = tpu.vector_load %arg6[%swap3A_56] {strides = array<i32>} : memref<288xi32, #tpu.memory_space<vmem>>, vector<16xi32>,
    %swap3A_58 = vector.shape_cast %swap3A_57 : vector<16xi32> to vector<16xi32>
    %swap3A_59 = vector.shape_cast %add3A_55 : vector<16xi32> to vector<16xi32>
    tpu.vector_store %arg6[%swap3A_56], %swap3A_59 {strides = array<i32>} : memref<288xi32, #tpu.memory_space<vmem>>, vector<16xi32>,
    %dma_start3A_60 = arith.constant 32 : i32
    %dma_start3A_61 = tpu.memref_slice %arg6[%dma_start3A_60] : memref<288xi32, #tpu.memory_space<vmem>> -> memref<16xi32, #tpu.memory_space<vmem>>
    %dma_start3A_62 = arith.constant 0 : i32
    %dma_start3A_63 = arith.constant 0 : i32
    %dma_start3A_64 = tpu.memref_slice %arg3[%dma_start3A_62, %dma_start3A_63] : memref<36864x768xf32, #tpu.memory_space<hbm>> -> memref<36864x768xf32, #tpu.memory_space<hbm>>
    tpu.enqueue_indirect_dma source(%dma_start3A_64 : memref<36864x768xf32, #tpu.memory_space<hbm>>) target(%arg9 : memref<16x768xf32, #tpu.memory_space<vmem>>) offsets(%dma_start3A_61 : memref<16xi32, #tpu.memory_space<vmem>>) semaphore(%arg17 : memref<!tpu.dma_semaphore, #tpu.memory_space<semaphore_mem>>)
    %add3A_65 = arith.constant 48 : i32
    %add3A_66 = arith.addi %mul3A_2, %add3A_65 : i32
    %rem3A_67 = arith.constant 64 : i32
    %rem3A_68 = arith.remsi %add3A_66, %rem3A_67 : i32
    %get3A_69 = arith.constant 48 : index
    %get3A_70 = tpu.vector_load %arg5[%get3A_69] {strides = array<i32>} : memref<288xi32, #tpu.memory_space<vmem>>, vector<16xi32>,
    %get3A_71 = vector.shape_cast %get3A_70 : vector<16xi32> to vector<16xi32>
    %mul3A_72 = arith.constant 64 : i32
    %mul3A_73 = vector.broadcast %mul3A_72 : i32 to vector<16xi32>
    %mul3A_74 = arith.muli %get3A_71, %mul3A_73 : vector<16xi32>
    %add3A_75 = vector.broadcast %rem3A_68 : i32 to vector<16xi32>
    %add3A_76 = arith.addi %mul3A_74, %add3A_75 : vector<16xi32>
    %add3A_77 = arith.addi %add3A_76, %iota3A : vector<16xi32>
    %swap3A_78 = arith.constant 48 : index
    %swap3A_79 = tpu.vector_load %arg6[%swap3A_78] {strides = array<i32>} : memref<288xi32, #tpu.memory_space<vmem>>, vector<16xi32>,
    %swap3A_80 = vector.shape_cast %swap3A_79 : vector<16xi32> to vector<16xi32>
    %swap3A_81 = vector.shape_cast %add3A_77 : vector<16xi32> to vector<16xi32>
    tpu.vector_store %arg6[%swap3A_78], %swap3A_81 {strides = array<i32>} : memref<288xi32, #tpu.memory_space<vmem>>, vector<16xi32>,
    %dma_start3A_82 = arith.constant 48 : i32
    %dma_start3A_83 = tpu.memref_slice %arg6[%dma_start3A_82] : memref<288xi32, #tpu.memory_space<vmem>> -> memref<16xi32, #tpu.memory_space<vmem>>
    %dma_start3A_84 = arith.constant 0 : i32
    %dma_start3A_85 = arith.constant 0 : i32
    %dma_start3A_86 = tpu.memref_slice %arg3[%dma_start3A_84, %dma_start3A_85] : memref<36864x768xf32, #tpu.memory_space<hbm>> -> memref<36864x768xf32, #tpu.memory_space<hbm>>
    tpu.enqueue_indirect_dma source(%dma_start3A_86 : memref<36864x768xf32, #tpu.memory_space<hbm>>) target(%arg10 : memref<16x768xf32, #tpu.memory_space<vmem>>) offsets(%dma_start3A_83 : memref<16xi32, #tpu.memory_space<vmem>>) semaphore(%arg18 : memref<!tpu.dma_semaphore, #tpu.memory_space<semaphore_mem>>)
    %add3A_87 = arith.constant 64 : i32
    %add3A_88 = arith.addi %mul3A_2, %add3A_87 : i32
    %rem3A_89 = arith.constant 64 : i32
    %rem3A_90 = arith.remsi %add3A_88, %rem3A_89 : i32
    %get3A_91 = arith.constant 64 : index
    %get3A_92 = tpu.vector_load %arg5[%get3A_91] {strides = array<i32>} : memref<288xi32, #tpu.memory_space<vmem>>, vector<16xi32>,
    %get3A_93 = vector.shape_cast %get3A_92 : vector<16xi32> to vector<16xi32>
    %mul3A_94 = arith.constant 64 : i32
    %mul3A_95 = vector.broadcast %mul3A_94 : i32 to vector<16xi32>
    %mul3A_96 = arith.muli %get3A_93, %mul3A_95 : vector<16xi32>
    %add3A_97 = vector.broadcast %rem3A_90 : i32 to vector<16xi32>
    %add3A_98 = arith.addi %mul3A_96, %add3A_97 : vector<16xi32>
    %add3A_99 = arith.addi %add3A_98, %iota3A : vector<16xi32>
    %swap3A_100 = arith.constant 64 : index
    %swap3A_101 = tpu.vector_load %arg6[%swap3A_100] {strides = array<i32>} : memref<288xi32, #tpu.memory_space<vmem>>, vector<16xi32>,
    %swap3A_102 = vector.shape_cast %swap3A_101 : vector<16xi32> to vector<16xi32>
    %swap3A_103 = vector.shape_cast %add3A_99 : vector<16xi32> to vector<16xi32>
    tpu.vector_store %arg6[%swap3A_100], %swap3A_103 {strides = array<i32>} : memref<288xi32, #tpu.memory_space<vmem>>, vector<16xi32>,
    %dma_start3A_104 = arith.constant 64 : i32
    %dma_start3A_105 = tpu.memref_slice %arg6[%dma_start3A_104] : memref<288xi32, #tpu.memory_space<vmem>> -> memref<16xi32, #tpu.memory_space<vmem>>
    %dma_start3A_106 = arith.constant 0 : i32
    %dma_start3A_107 = arith.constant 0 : i32
    %dma_start3A_108 = tpu.memref_slice %arg3[%dma_start3A_106, %dma_start3A_107] : memref<36864x768xf32, #tpu.memory_space<hbm>> -> memref<36864x768xf32, #tpu.memory_space<hbm>>
    tpu.enqueue_indirect_dma source(%dma_start3A_108 : memref<36864x768xf32, #tpu.memory_space<hbm>>) target(%arg11 : memref<16x768xf32, #tpu.memory_space<vmem>>) offsets(%dma_start3A_105 : memref<16xi32, #tpu.memory_space<vmem>>) semaphore(%arg19 : memref<!tpu.dma_semaphore, #tpu.memory_space<semaphore_mem>>)
    %add3A_109 = arith.constant 80 : i32
    %add3A_110 = arith.addi %mul3A_2, %add3A_109 : i32
    %rem3A_111 = arith.constant 64 : i32
    %rem3A_112 = arith.remsi %add3A_110, %rem3A_111 : i32
    %get3A_113 = arith.constant 80 : index
    %get3A_114 = tpu.vector_load %arg5[%get3A_113] {strides = array<i32>} : memref<288xi32, #tpu.memory_space<vmem>>, vector<16xi32>,
    %get3A_115 = vector.shape_cast %get3A_114 : vector<16xi32> to vector<16xi32>
    %mul3A_116 = arith.constant 64 : i32
    %mul3A_117 = vector.broadcast %mul3A_116 : i32 to vector<16xi32>
    %mul3A_118 = arith.muli %get3A_115, %mul3A_117 : vector<16xi32>
    %add3A_119 = vector.broadcast %rem3A_112 : i32 to vector<16xi32>
    %add3A_120 = arith.addi %mul3A_118, %add3A_119 : vector<16xi32>
    %add3A_121 = arith.addi %add3A_120, %iota3A : vector<16xi32>
    %swap3A_122 = arith.constant 80 : index
    %swap3A_123 = tpu.vector_load %arg6[%swap3A_122] {strides = array<i32>} : memref<288xi32, #tpu.memory_space<vmem>>, vector<16xi32>,
    %swap3A_124 = vector.shape_cast %swap3A_123 : vector<16xi32> to vector<16xi32>
    %swap3A_125 = vector.shape_cast %add3A_121 : vector<16xi32> to vector<16xi32>
    tpu.vector_store %arg6[%swap3A_122], %swap3A_125 {strides = array<i32>} : memref<288xi32, #tpu.memory_space<vmem>>, vector<16xi32>,
    %dma_start3A_126 = arith.constant 80 : i32
    %dma_start3A_127 = tpu.memref_slice %arg6[%dma_start3A_126] : memref<288xi32, #tpu.memory_space<vmem>> -> memref<16xi32, #tpu.memory_space<vmem>>
    %dma_start3A_128 = arith.constant 0 : i32
    %dma_start3A_129 = arith.constant 0 : i32
    %dma_start3A_130 = tpu.memref_slice %arg3[%dma_start3A_128, %dma_start3A_129] : memref<36864x768xf32, #tpu.memory_space<hbm>> -> memref<36864x768xf32, #tpu.memory_space<hbm>>
    tpu.enqueue_indirect_dma source(%dma_start3A_130 : memref<36864x768xf32, #tpu.memory_space<hbm>>) target(%arg12 : memref<16x768xf32, #tpu.memory_space<vmem>>) offsets(%dma_start3A_127 : memref<16xi32, #tpu.memory_space<vmem>>) semaphore(%arg20 : memref<!tpu.dma_semaphore, #tpu.memory_space<semaphore_mem>>)
    %add3A_131 = arith.constant 96 : i32
    %add3A_132 = arith.addi %mul3A_2, %add3A_131 : i32
    %rem3A_133 = arith.constant 64 : i32
    %rem3A_134 = arith.remsi %add3A_132, %rem3A_133 : i32
    %get3A_135 = arith.constant 96 : index
    %get3A_136 = tpu.vector_load %arg5[%get3A_135] {strides = array<i32>} : memref<288xi32, #tpu.memory_space<vmem>>, vector<16xi32>,
    %get3A_137 = vector.shape_cast %get3A_136 : vector<16xi32> to vector<16xi32>
    %mul3A_138 = arith.constant 64 : i32
    %mul3A_139 = vector.broadcast %mul3A_138 : i32 to vector<16xi32>
    %mul3A_140 = arith.muli %get3A_137, %mul3A_139 : vector<16xi32>
    %add3A_141 = vector.broadcast %rem3A_134 : i32 to vector<16xi32>
    %add3A_142 = arith.addi %mul3A_140, %add3A_141 : vector<16xi32>
    %add3A_143 = arith.addi %add3A_142, %iota3A : vector<16xi32>
    %swap3A_144 = arith.constant 96 : index
    %swap3A_145 = tpu.vector_load %arg6[%swap3A_144] {strides = array<i32>} : memref<288xi32, #tpu.memory_space<vmem>>, vector<16xi32>,
    %swap3A_146 = vector.shape_cast %swap3A_145 : vector<16xi32> to vector<16xi32>
    %swap3A_147 = vector.shape_cast %add3A_143 : vector<16xi32> to vector<16xi32>
    tpu.vector_store %arg6[%swap3A_144], %swap3A_147 {strides = array<i32>} : memref<288xi32, #tpu.memory_space<vmem>>, vector<16xi32>,
    %dma_start3A_148 = arith.constant 96 : i32
    %dma_start3A_149 = tpu.memref_slice %arg6[%dma_start3A_148] : memref<288xi32, #tpu.memory_space<vmem>> -> memref<16xi32, #tpu.memory_space<vmem>>
    %dma_start3A_150 = arith.constant 0 : i32
    %dma_start3A_151 = arith.constant 0 : i32
    %dma_start3A_152 = tpu.memref_slice %arg3[%dma_start3A_150, %dma_start3A_151] : memref<36864x768xf32, #tpu.memory_space<hbm>> -> memref<36864x768xf32, #tpu.memory_space<hbm>>
    tpu.enqueue_indirect_dma source(%dma_start3A_152 : memref<36864x768xf32, #tpu.memory_space<hbm>>) target(%arg13 : memref<16x768xf32, #tpu.memory_space<vmem>>) offsets(%dma_start3A_149 : memref<16xi32, #tpu.memory_space<vmem>>) semaphore(%arg21 : memref<!tpu.dma_semaphore, #tpu.memory_space<semaphore_mem>>)
    %add3A_153 = arith.constant 112 : i32
    %add3A_154 = arith.addi %mul3A_2, %add3A_153 : i32
    %rem3A_155 = arith.constant 64 : i32
    %rem3A_156 = arith.remsi %add3A_154, %rem3A_155 : i32
    %get3A_157 = arith.constant 112 : index
    %get3A_158 = tpu.vector_load %arg5[%get3A_157] {strides = array<i32>} : memref<288xi32, #tpu.memory_space<vmem>>, vector<16xi32>,
    %get3A_159 = vector.shape_cast %get3A_158 : vector<16xi32> to vector<16xi32>
    %mul3A_160 = arith.constant 64 : i32
    %mul3A_161 = vector.broadcast %mul3A_160 : i32 to vector<16xi32>
    %mul3A_162 = arith.muli %get3A_159, %mul3A_161 : vector<16xi32>
    %add3A_163 = vector.broadcast %rem3A_156 : i32 to vector<16xi32>
    %add3A_164 = arith.addi %mul3A_162, %add3A_163 : vector<16xi32>
    %add3A_165 = arith.addi %add3A_164, %iota3A : vector<16xi32>
    %swap3A_166 = arith.constant 112 : index
    %swap3A_167 = tpu.vector_load %arg6[%swap3A_166] {strides = array<i32>} : memref<288xi32, #tpu.memory_space<vmem>>, vector<16xi32>,
    %swap3A_168 = vector.shape_cast %swap3A_167 : vector<16xi32> to vector<16xi32>
    %swap3A_169 = vector.shape_cast %add3A_165 : vector<16xi32> to vector<16xi32>
    tpu.vector_store %arg6[%swap3A_166], %swap3A_169 {strides = array<i32>} : memref<288xi32, #tpu.memory_space<vmem>>, vector<16xi32>,
    %dma_start3A_170 = arith.constant 112 : i32
    %dma_start3A_171 = tpu.memref_slice %arg6[%dma_start3A_170] : memref<288xi32, #tpu.memory_space<vmem>> -> memref<16xi32, #tpu.memory_space<vmem>>
    %dma_start3A_172 = arith.constant 0 : i32
    %dma_start3A_173 = arith.constant 0 : i32
    %dma_start3A_174 = tpu.memref_slice %arg3[%dma_start3A_172, %dma_start3A_173] : memref<36864x768xf32, #tpu.memory_space<hbm>> -> memref<36864x768xf32, #tpu.memory_space<hbm>>
    tpu.enqueue_indirect_dma source(%dma_start3A_174 : memref<36864x768xf32, #tpu.memory_space<hbm>>) target(%arg14 : memref<16x768xf32, #tpu.memory_space<vmem>>) offsets(%dma_start3A_171 : memref<16xi32, #tpu.memory_space<vmem>>) semaphore(%arg22 : memref<!tpu.dma_semaphore, #tpu.memory_space<semaphore_mem>>)
    %dma_wait3A = arith.constant 0 : i32
    %dma_wait3A_175 = tpu.memref_slice %arg6[%dma_wait3A] : memref<288xi32, #tpu.memory_space<vmem>> -> memref<16xi32, #tpu.memory_space<vmem>>
    %dma_wait3A_176 = arith.constant 0 : i32
    %dma_wait3A_177 = arith.constant 0 : i32
    %dma_wait3A_178 = tpu.memref_slice %arg3[%dma_wait3A_176, %dma_wait3A_177] : memref<36864x768xf32, #tpu.memory_space<hbm>> -> memref<36864x768xf32, #tpu.memory_space<hbm>>
    tpu.wait_indirect_dma semaphore(%arg15 : memref<!tpu.dma_semaphore, #tpu.memory_space<semaphore_mem>>) src(%dma_wait3A_178 : memref<36864x768xf32, #tpu.memory_space<hbm>>) dst(%arg7 : memref<16x768xf32, #tpu.memory_space<vmem>>)
    %add3A_179 = arith.constant 0 : i32
    %add3A_180 = arith.addi %mul3A_2, %add3A_179 : i32
    %dma_start3A_181 = arith.constant 0 : i32
    %dma_start3A_182 = tpu.memref_slice %arg4[%add3A_180, %dma_start3A_181] : memref<9216x768xf32, #tpu.memory_space<hbm>> -> memref<16x768xf32, #tpu.memory_space<hbm>>
    %dma_start3A_183 = arith.constant 0 : i32
    %dma_start3A_184 = tpu.memref_slice %arg4[%add3A_180, %dma_start3A_183] : memref<9216x768xf32, #tpu.memory_space<hbm>> -> memref<16x768xf32, #tpu.memory_space<hbm>>
    tpu.enqueue_dma source(%arg7 : memref<16x768xf32, #tpu.memory_space<vmem>>) target(%dma_start3A_184 : memref<16x768xf32, #tpu.memory_space<hbm>>) target_semaphore(%arg23 : memref<!tpu.dma_semaphore, #tpu.memory_space<semaphore_mem>>)
    %add3A_185 = arith.constant 128 : i32
    %add3A_186 = arith.addi %mul3A_2, %add3A_185 : i32
    %rem3A_187 = arith.constant 64 : i32
    %rem3A_188 = arith.remsi %add3A_186, %rem3A_187 : i32
    %get3A_189 = arith.constant 128 : index
    %get3A_190 = tpu.vector_load %arg5[%get3A_189] {strides = array<i32>} : memref<288xi32, #tpu.memory_space<vmem>>, vector<16xi32>,
    %get3A_191 = vector.shape_cast %get3A_190 : vector<16xi32> to vector<16xi32>
    %mul3A_192 = arith.constant 64 : i32
    %mul3A_193 = vector.broadcast %mul3A_192 : i32 to vector<16xi32>
    %mul3A_194 = arith.muli %get3A_191, %mul3A_193 : vector<16xi32>
    %add3A_195 = vector.broadcast %rem3A_188 : i32 to vector<16xi32>
    %add3A_196 = arith.addi %mul3A_194, %add3A_195 : vector<16xi32>
    %add3A_197 = arith.addi %add3A_196, %iota3A : vector<16xi32>
    %swap3A_198 = arith.constant 128 : index
    %swap3A_199 = tpu.vector_load %arg6[%swap3A_198] {strides = array<i32>} : memref<288xi32, #tpu.memory_space<vmem>>, vector<16xi32>,
    %swap3A_200 = vector.shape_cast %swap3A_199 : vector<16xi32> to vector<16xi32>
    %swap3A_201 = vector.shape_cast %add3A_197 : vector<16xi32> to vector<16xi32>
    tpu.vector_store %arg6[%swap3A_198], %swap3A_201 {strides = array<i32>} : memref<288xi32, #tpu.memory_space<vmem>>, vector<16xi32>,
    %dma_wait3A_202 = arith.constant 0 : i32
    %dma_wait3A_203 = tpu.memref_slice %arg4[%add3A_180, %dma_wait3A_202] : memref<9216x768xf32, #tpu.memory_space<hbm>> -> memref<16x768xf32, #tpu.memory_space<hbm>>
    %dma_wait3A_204 = arith.constant 0 : i32
    %dma_wait3A_205 = tpu.memref_slice %arg4[%add3A_180, %dma_wait3A_204] : memref<9216x768xf32, #tpu.memory_space<hbm>> -> memref<16x768xf32, #tpu.memory_space<hbm>>
    tpu.wait_dma2 semaphore(%arg23 : memref<!tpu.dma_semaphore, #tpu.memory_space<semaphore_mem>>) src(%arg7 : memref<16x768xf32, #tpu.memory_space<vmem>>) dst(%dma_wait3A_205 : memref<16x768xf32, #tpu.memory_space<hbm>>)
    %dma_start3A_206 = arith.constant 128 : i32
    %dma_start3A_207 = tpu.memref_slice %arg6[%dma_start3A_206] : memref<288xi32, #tpu.memory_space<vmem>> -> memref<16xi32, #tpu.memory_space<vmem>>
    %dma_start3A_208 = arith.constant 0 : i32
    %dma_start3A_209 = arith.constant 0 : i32
    %dma_start3A_210 = tpu.memref_slice %arg3[%dma_start3A_208, %dma_start3A_209] : memref<36864x768xf32, #tpu.memory_space<hbm>> -> memref<36864x768xf32, #tpu.memory_space<hbm>>
    tpu.enqueue_indirect_dma source(%dma_start3A_210 : memref<36864x768xf32, #tpu.memory_space<hbm>>) target(%arg7 : memref<16x768xf32, #tpu.memory_space<vmem>>) offsets(%dma_start3A_207 : memref<16xi32, #tpu.memory_space<vmem>>) semaphore(%arg15 : memref<!tpu.dma_semaphore, #tpu.memory_space<semaphore_mem>>)
    %dma_wait3A_211 = arith.constant 16 : i32
    %dma_wait3A_212 = tpu.memref_slice %arg6[%dma_wait3A_211] : memref<288xi32, #tpu.memory_space<vmem>> -> memref<16xi32, #tpu.memory_space<vmem>>
    %dma_wait3A_213 = arith.constant 0 : i32
    %dma_wait3A_214 = arith.constant 0 : i32
    %dma_wait3A_215 = tpu.memref_slice %arg3[%dma_wait3A_213, %dma_wait3A_214] : memref<36864x768xf32, #tpu.memory_space<hbm>> -> memref<36864x768xf32, #tpu.memory_space<hbm>>
    tpu.wait_indirect_dma semaphore(%arg16 : memref<!tpu.dma_semaphore, #tpu.memory_space<semaphore_mem>>) src(%dma_wait3A_215 : memref<36864x768xf32, #tpu.memory_space<hbm>>) dst(%arg8 : memref<16x768xf32, #tpu.memory_space<vmem>>)
    %add3A_216 = arith.constant 16 : i32
    %add3A_217 = arith.addi %mul3A_2, %add3A_216 : i32
    %dma_start3A_218 = arith.constant 0 : i32
    %dma_start3A_219 = tpu.memref_slice %arg4[%add3A_217, %dma_start3A_218] : memref<9216x768xf32, #tpu.memory_space<hbm>> -> memref<16x768xf32, #tpu.memory_space<hbm>>
    %dma_start3A_220 = arith.constant 0 : i32
    %dma_start3A_221 = tpu.memref_slice %arg4[%add3A_217, %dma_start3A_220] : memref<9216x768xf32, #tpu.memory_space<hbm>> -> memref<16x768xf32, #tpu.memory_space<hbm>>
    tpu.enqueue_dma source(%arg8 : memref<16x768xf32, #tpu.memory_space<vmem>>) target(%dma_start3A_221 : memref<16x768xf32, #tpu.memory_space<hbm>>) target_semaphore(%arg24 : memref<!tpu.dma_semaphore, #tpu.memory_space<semaphore_mem>>)
    %add3A_222 = arith.constant 144 : i32
    %add3A_223 = arith.addi %mul3A_2, %add3A_222 : i32
    %rem3A_224 = arith.constant 64 : i32
    %rem3A_225 = arith.remsi %add3A_223, %rem3A_224 : i32
    %get3A_226 = arith.constant 144 : index
    %get3A_227 = tpu.vector_load %arg5[%get3A_226] {strides = array<i32>} : memref<288xi32, #tpu.memory_space<vmem>>, vector<16xi32>,
    %get3A_228 = vector.shape_cast %get3A_227 : vector<16xi32> to vector<16xi32>
    %mul3A_229 = arith.constant 64 : i32
    %mul3A_230 = vector.broadcast %mul3A_229 : i32 to vector<16xi32>
    %mul3A_231 = arith.muli %get3A_228, %mul3A_230 : vector<16xi32>
    %add3A_232 = vector.broadcast %rem3A_225 : i32 to vector<16xi32>
    %add3A_233 = arith.addi %mul3A_231, %add3A_232 : vector<16xi32>
    %add3A_234 = arith.addi %add3A_233, %iota3A : vector<16xi32>
    %swap3A_235 = arith.constant 144 : index
    %swap3A_236 = tpu.vector_load %arg6[%swap3A_235] {strides = array<i32>} : memref<288xi32, #tpu.memory_space<vmem>>, vector<16xi32>,
    %swap3A_237 = vector.shape_cast %swap3A_236 : vector<16xi32> to vector<16xi32>
    %swap3A_238 = vector.shape_cast %add3A_234 : vector<16xi32> to vector<16xi32>
    tpu.vector_store %arg6[%swap3A_235], %swap3A_238 {strides = array<i32>} : memref<288xi32, #tpu.memory_space<vmem>>, vector<16xi32>,
    %dma_wait3A_239 = arith.constant 0 : i32
    %dma_wait3A_240 = tpu.memref_slice %arg4[%add3A_217, %dma_wait3A_239] : memref<9216x768xf32, #tpu.memory_space<hbm>> -> memref<16x768xf32, #tpu.memory_space<hbm>>
    %dma_wait3A_241 = arith.constant 0 : i32
    %dma_wait3A_242 = tpu.memref_slice %arg4[%add3A_217, %dma_wait3A_241] : memref<9216x768xf32, #tpu.memory_space<hbm>> -> memref<16x768xf32, #tpu.memory_space<hbm>>
    tpu.wait_dma2 semaphore(%arg24 : memref<!tpu.dma_semaphore, #tpu.memory_space<semaphore_mem>>) src(%arg8 : memref<16x768xf32, #tpu.memory_space<vmem>>) dst(%dma_wait3A_242 : memref<16x768xf32, #tpu.memory_space<hbm>>)
    %dma_start3A_243 = arith.constant 144 : i32
    %dma_start3A_244 = tpu.memref_slice %arg6[%dma_start3A_243] : memref<288xi32, #tpu.memory_space<vmem>> -> memref<16xi32, #tpu.memory_space<vmem>>
    %dma_start3A_245 = arith.constant 0 : i32
    %dma_start3A_246 = arith.constant 0 : i32
    %dma_start3A_247 = tpu.memref_slice %arg3[%dma_start3A_245, %dma_start3A_246] : memref<36864x768xf32, #tpu.memory_space<hbm>> -> memref<36864x768xf32, #tpu.memory_space<hbm>>
    tpu.enqueue_indirect_dma source(%dma_start3A_247 : memref<36864x768xf32, #tpu.memory_space<hbm>>) target(%arg8 : memref<16x768xf32, #tpu.memory_space<vmem>>) offsets(%dma_start3A_244 : memref<16xi32, #tpu.memory_space<vmem>>) semaphore(%arg16 : memref<!tpu.dma_semaphore, #tpu.memory_space<semaphore_mem>>)
    %dma_wait3A_248 = arith.constant 32 : i32
    %dma_wait3A_249 = tpu.memref_slice %arg6[%dma_wait3A_248] : memref<288xi32, #tpu.memory_space<vmem>> -> memref<16xi32, #tpu.memory_space<vmem>>
    %dma_wait3A_250 = arith.constant 0 : i32
    %dma_wait3A_251 = arith.constant 0 : i32
    %dma_wait3A_252 = tpu.memref_slice %arg3[%dma_wait3A_250, %dma_wait3A_251] : memref<36864x768xf32, #tpu.memory_space<hbm>> -> memref<36864x768xf32, #tpu.memory_space<hbm>>
    tpu.wait_indirect_dma semaphore(%arg17 : memref<!tpu.dma_semaphore, #tpu.memory_space<semaphore_mem>>) src(%dma_wait3A_252 : memref<36864x768xf32, #tpu.memory_space<hbm>>) dst(%arg9 : memref<16x768xf32, #tpu.memory_space<vmem>>)
    %add3A_253 = arith.constant 32 : i32
    %add3A_254 = arith.addi %mul3A_2, %add3A_253 : i32
    %dma_start3A_255 = arith.constant 0 : i32
    %dma_start3A_256 = tpu.memref_slice %arg4[%add3A_254, %dma_start3A_255] : memref<9216x768xf32, #tpu.memory_space<hbm>> -> memref<16x768xf32, #tpu.memory_space<hbm>>
    %dma_start3A_257 = arith.constant 0 : i32
    %dma_start3A_258 = tpu.memref_slice %arg4[%add3A_254, %dma_start3A_257] : memref<9216x768xf32, #tpu.memory_space<hbm>> -> memref<16x768xf32, #tpu.memory_space<hbm>>
    tpu.enqueue_dma source(%arg9 : memref<16x768xf32, #tpu.memory_space<vmem>>) target(%dma_start3A_258 : memref<16x768xf32, #tpu.memory_space<hbm>>) target_semaphore(%arg25 : memref<!tpu.dma_semaphore, #tpu.memory_space<semaphore_mem>>)
    %add3A_259 = arith.constant 160 : i32
    %add3A_260 = arith.addi %mul3A_2, %add3A_259 : i32
    %rem3A_261 = arith.constant 64 : i32
    %rem3A_262 = arith.remsi %add3A_260, %rem3A_261 : i32
    %get3A_263 = arith.constant 160 : index
    %get3A_264 = tpu.vector_load %arg5[%get3A_263] {strides = array<i32>} : memref<288xi32, #tpu.memory_space<vmem>>, vector<16xi32>,
    %get3A_265 = vector.shape_cast %get3A_264 : vector<16xi32> to vector<16xi32>
    %mul3A_266 = arith.constant 64 : i32
    %mul3A_267 = vector.broadcast %mul3A_266 : i32 to vector<16xi32>
    %mul3A_268 = arith.muli %get3A_265, %mul3A_267 : vector<16xi32>
    %add3A_269 = vector.broadcast %rem3A_262 : i32 to vector<16xi32>
    %add3A_270 = arith.addi %mul3A_268, %add3A_269 : vector<16xi32>
    %add3A_271 = arith.addi %add3A_270, %iota3A : vector<16xi32>
    %swap3A_272 = arith.constant 160 : index
    %swap3A_273 = tpu.vector_load %arg6[%swap3A_272] {strides = array<i32>} : memref<288xi32, #tpu.memory_space<vmem>>, vector<16xi32>,
    %swap3A_274 = vector.shape_cast %swap3A_273 : vector<16xi32> to vector<16xi32>
    %swap3A_275 = vector.shape_cast %add3A_271 : vector<16xi32> to vector<16xi32>
    tpu.vector_store %arg6[%swap3A_272], %swap3A_275 {strides = array<i32>} : memref<288xi32, #tpu.memory_space<vmem>>, vector<16xi32>,
    %dma_wait3A_276 = arith.constant 0 : i32
    %dma_wait3A_277 = tpu.memref_slice %arg4[%add3A_254, %dma_wait3A_276] : memref<9216x768xf32, #tpu.memory_space<hbm>> -> memref<16x768xf32, #tpu.memory_space<hbm>>
    %dma_wait3A_278 = arith.constant 0 : i32
    %dma_wait3A_279 = tpu.memref_slice %arg4[%add3A_254, %dma_wait3A_278] : memref<9216x768xf32, #tpu.memory_space<hbm>> -> memref<16x768xf32, #tpu.memory_space<hbm>>
    tpu.wait_dma2 semaphore(%arg25 : memref<!tpu.dma_semaphore, #tpu.memory_space<semaphore_mem>>) src(%arg9 : memref<16x768xf32, #tpu.memory_space<vmem>>) dst(%dma_wait3A_279 : memref<16x768xf32, #tpu.memory_space<hbm>>)
    %dma_start3A_280 = arith.constant 160 : i32
    %dma_start3A_281 = tpu.memref_slice %arg6[%dma_start3A_280] : memref<288xi32, #tpu.memory_space<vmem>> -> memref<16xi32, #tpu.memory_space<vmem>>
    %dma_start3A_282 = arith.constant 0 : i32
    %dma_start3A_283 = arith.constant 0 : i32
    %dma_start3A_284 = tpu.memref_slice %arg3[%dma_start3A_282, %dma_start3A_283] : memref<36864x768xf32, #tpu.memory_space<hbm>> -> memref<36864x768xf32, #tpu.memory_space<hbm>>
    tpu.enqueue_indirect_dma source(%dma_start3A_284 : memref<36864x768xf32, #tpu.memory_space<hbm>>) target(%arg9 : memref<16x768xf32, #tpu.memory_space<vmem>>) offsets(%dma_start3A_281 : memref<16xi32, #tpu.memory_space<vmem>>) semaphore(%arg17 : memref<!tpu.dma_semaphore, #tpu.memory_space<semaphore_mem>>)
    %dma_wait3A_285 = arith.constant 48 : i32
    %dma_wait3A_286 = tpu.memref_slice %arg6[%dma_wait3A_285] : memref<288xi32, #tpu.memory_space<vmem>> -> memref<16xi32, #tpu.memory_space<vmem>>
    %dma_wait3A_287 = arith.constant 0 : i32
    %dma_wait3A_288 = arith.constant 0 : i32
    %dma_wait3A_289 = tpu.memref_slice %arg3[%dma_wait3A_287, %dma_wait3A_288] : memref<36864x768xf32, #tpu.memory_space<hbm>> -> memref<36864x768xf32, #tpu.memory_space<hbm>>
    tpu.wait_indirect_dma semaphore(%arg18 : memref<!tpu.dma_semaphore, #tpu.memory_space<semaphore_mem>>) src(%dma_wait3A_289 : memref<36864x768xf32, #tpu.memory_space<hbm>>) dst(%arg10 : memref<16x768xf32, #tpu.memory_space<vmem>>)
    %add3A_290 = arith.constant 48 : i32
    %add3A_291 = arith.addi %mul3A_2, %add3A_290 : i32
    %dma_start3A_292 = arith.constant 0 : i32
    %dma_start3A_293 = tpu.memref_slice %arg4[%add3A_291, %dma_start3A_292] : memref<9216x768xf32, #tpu.memory_space<hbm>> -> memref<16x768xf32, #tpu.memory_space<hbm>>
    %dma_start3A_294 = arith.constant 0 : i32
    %dma_start3A_295 = tpu.memref_slice %arg4[%add3A_291, %dma_start3A_294] : memref<9216x768xf32, #tpu.memory_space<hbm>> -> memref<16x768xf32, #tpu.memory_space<hbm>>
    tpu.enqueue_dma source(%arg10 : memref<16x768xf32, #tpu.memory_space<vmem>>) target(%dma_start3A_295 : memref<16x768xf32, #tpu.memory_space<hbm>>) target_semaphore(%arg26 : memref<!tpu.dma_semaphore, #tpu.memory_space<semaphore_mem>>)
    %add3A_296 = arith.constant 176 : i32
    %add3A_297 = arith.addi %mul3A_2, %add3A_296 : i32
    %rem3A_298 = arith.constant 64 : i32
    %rem3A_299 = arith.remsi %add3A_297, %rem3A_298 : i32
    %get3A_300 = arith.constant 176 : index
    %get3A_301 = tpu.vector_load %arg5[%get3A_300] {strides = array<i32>} : memref<288xi32, #tpu.memory_space<vmem>>, vector<16xi32>,
    %get3A_302 = vector.shape_cast %get3A_301 : vector<16xi32> to vector<16xi32>
    %mul3A_303 = arith.constant 64 : i32
    %mul3A_304 = vector.broadcast %mul3A_303 : i32 to vector<16xi32>
    %mul3A_305 = arith.muli %get3A_302, %mul3A_304 : vector<16xi32>
    %add3A_306 = vector.broadcast %rem3A_299 : i32 to vector<16xi32>
    %add3A_307 = arith.addi %mul3A_305, %add3A_306 : vector<16xi32>
    %add3A_308 = arith.addi %add3A_307, %iota3A : vector<16xi32>
    %swap3A_309 = arith.constant 176 : index
    %swap3A_310 = tpu.vector_load %arg6[%swap3A_309] {strides = array<i32>} : memref<288xi32, #tpu.memory_space<vmem>>, vector<16xi32>,
    %swap3A_311 = vector.shape_cast %swap3A_310 : vector<16xi32> to vector<16xi32>
    %swap3A_312 = vector.shape_cast %add3A_308 : vector<16xi32> to vector<16xi32>
    tpu.vector_store %arg6[%swap3A_309], %swap3A_312 {strides = array<i32>} : memref<288xi32, #tpu.memory_space<vmem>>, vector<16xi32>,
    %dma_wait3A_313 = arith.constant 0 : i32
    %dma_wait3A_314 = tpu.memref_slice %arg4[%add3A_291, %dma_wait3A_313] : memref<9216x768xf32, #tpu.memory_space<hbm>> -> memref<16x768xf32, #tpu.memory_space<hbm>>
    %dma_wait3A_315 = arith.constant 0 : i32
    %dma_wait3A_316 = tpu.memref_slice %arg4[%add3A_291, %dma_wait3A_315] : memref<9216x768xf32, #tpu.memory_space<hbm>> -> memref<16x768xf32, #tpu.memory_space<hbm>>
    tpu.wait_dma2 semaphore(%arg26 : memref<!tpu.dma_semaphore, #tpu.memory_space<semaphore_mem>>) src(%arg10 : memref<16x768xf32, #tpu.memory_space<vmem>>) dst(%dma_wait3A_316 : memref<16x768xf32, #tpu.memory_space<hbm>>)
    %dma_start3A_317 = arith.constant 176 : i32
    %dma_start3A_318 = tpu.memref_slice %arg6[%dma_start3A_317] : memref<288xi32, #tpu.memory_space<vmem>> -> memref<16xi32, #tpu.memory_space<vmem>>
    %dma_start3A_319 = arith.constant 0 : i32
    %dma_start3A_320 = arith.constant 0 : i32
    %dma_start3A_321 = tpu.memref_slice %arg3[%dma_start3A_319, %dma_start3A_320] : memref<36864x768xf32, #tpu.memory_space<hbm>> -> memref<36864x768xf32, #tpu.memory_space<hbm>>
    tpu.enqueue_indirect_dma source(%dma_start3A_321 : memref<36864x768xf32, #tpu.memory_space<hbm>>) target(%arg10 : memref<16x768xf32, #tpu.memory_space<vmem>>) offsets(%dma_start3A_318 : memref<16xi32, #tpu.memory_space<vmem>>) semaphore(%arg18 : memref<!tpu.dma_semaphore, #tpu.memory_space<semaphore_mem>>)
    %dma_wait3A_322 = arith.constant 64 : i32
    %dma_wait3A_323 = tpu.memref_slice %arg6[%dma_wait3A_322] : memref<288xi32, #tpu.memory_space<vmem>> -> memref<16xi32, #tpu.memory_space<vmem>>
    %dma_wait3A_324 = arith.constant 0 : i32
    %dma_wait3A_325 = arith.constant 0 : i32
    %dma_wait3A_326 = tpu.memref_slice %arg3[%dma_wait3A_324, %dma_wait3A_325] : memref<36864x768xf32, #tpu.memory_space<hbm>> -> memref<36864x768xf32, #tpu.memory_space<hbm>>
    tpu.wait_indirect_dma semaphore(%arg19 : memref<!tpu.dma_semaphore, #tpu.memory_space<semaphore_mem>>) src(%dma_wait3A_326 : memref<36864x768xf32, #tpu.memory_space<hbm>>) dst(%arg11 : memref<16x768xf32, #tpu.memory_space<vmem>>)
    %add3A_327 = arith.constant 64 : i32
    %add3A_328 = arith.addi %mul3A_2, %add3A_327 : i32
    %dma_start3A_329 = arith.constant 0 : i32
    %dma_start3A_330 = tpu.memref_slice %arg4[%add3A_328, %dma_start3A_329] : memref<9216x768xf32, #tpu.memory_space<hbm>> -> memref<16x768xf32, #tpu.memory_space<hbm>>
    %dma_start3A_331 = arith.constant 0 : i32
    %dma_start3A_332 = tpu.memref_slice %arg4[%add3A_328, %dma_start3A_331] : memref<9216x768xf32, #tpu.memory_space<hbm>> -> memref<16x768xf32, #tpu.memory_space<hbm>>
    tpu.enqueue_dma source(%arg11 : memref<16x768xf32, #tpu.memory_space<vmem>>) target(%dma_start3A_332 : memref<16x768xf32, #tpu.memory_space<hbm>>) target_semaphore(%arg27 : memref<!tpu.dma_semaphore, #tpu.memory_space<semaphore_mem>>)
    %add3A_333 = arith.constant 192 : i32
    %add3A_334 = arith.addi %mul3A_2, %add3A_333 : i32
    %rem3A_335 = arith.constant 64 : i32
    %rem3A_336 = arith.remsi %add3A_334, %rem3A_335 : i32
    %get3A_337 = arith.constant 192 : index
    %get3A_338 = tpu.vector_load %arg5[%get3A_337] {strides = array<i32>} : memref<288xi32, #tpu.memory_space<vmem>>, vector<16xi32>,
    %get3A_339 = vector.shape_cast %get3A_338 : vector<16xi32> to vector<16xi32>
    %mul3A_340 = arith.constant 64 : i32
    %mul3A_341 = vector.broadcast %mul3A_340 : i32 to vector<16xi32>
    %mul3A_342 = arith.muli %get3A_339, %mul3A_341 : vector<16xi32>
    %add3A_343 = vector.broadcast %rem3A_336 : i32 to vector<16xi32>
    %add3A_344 = arith.addi %mul3A_342, %add3A_343 : vector<16xi32>
    %add3A_345 = arith.addi %add3A_344, %iota3A : vector<16xi32>
    %swap3A_346 = arith.constant 192 : index
    %swap3A_347 = tpu.vector_load %arg6[%swap3A_346] {strides = array<i32>} : memref<288xi32, #tpu.memory_space<vmem>>, vector<16xi32>,
    %swap3A_348 = vector.shape_cast %swap3A_347 : vector<16xi32> to vector<16xi32>
    %swap3A_349 = vector.shape_cast %add3A_345 : vector<16xi32> to vector<16xi32>
    tpu.vector_store %arg6[%swap3A_346], %swap3A_349 {strides = array<i32>} : memref<288xi32, #tpu.memory_space<vmem>>, vector<16xi32>,
    %dma_wait3A_350 = arith.constant 0 : i32
    %dma_wait3A_351 = tpu.memref_slice %arg4[%add3A_328, %dma_wait3A_350] : memref<9216x768xf32, #tpu.memory_space<hbm>> -> memref<16x768xf32, #tpu.memory_space<hbm>>
    %dma_wait3A_352 = arith.constant 0 : i32
    %dma_wait3A_353 = tpu.memref_slice %arg4[%add3A_328, %dma_wait3A_352] : memref<9216x768xf32, #tpu.memory_space<hbm>> -> memref<16x768xf32, #tpu.memory_space<hbm>>
    tpu.wait_dma2 semaphore(%arg27 : memref<!tpu.dma_semaphore, #tpu.memory_space<semaphore_mem>>) src(%arg11 : memref<16x768xf32, #tpu.memory_space<vmem>>) dst(%dma_wait3A_353 : memref<16x768xf32, #tpu.memory_space<hbm>>)
    %dma_start3A_354 = arith.constant 192 : i32
    %dma_start3A_355 = tpu.memref_slice %arg6[%dma_start3A_354] : memref<288xi32, #tpu.memory_space<vmem>> -> memref<16xi32, #tpu.memory_space<vmem>>
    %dma_start3A_356 = arith.constant 0 : i32
    %dma_start3A_357 = arith.constant 0 : i32
    %dma_start3A_358 = tpu.memref_slice %arg3[%dma_start3A_356, %dma_start3A_357] : memref<36864x768xf32, #tpu.memory_space<hbm>> -> memref<36864x768xf32, #tpu.memory_space<hbm>>
    tpu.enqueue_indirect_dma source(%dma_start3A_358 : memref<36864x768xf32, #tpu.memory_space<hbm>>) target(%arg11 : memref<16x768xf32, #tpu.memory_space<vmem>>) offsets(%dma_start3A_355 : memref<16xi32, #tpu.memory_space<vmem>>) semaphore(%arg19 : memref<!tpu.dma_semaphore, #tpu.memory_space<semaphore_mem>>)
    %dma_wait3A_359 = arith.constant 80 : i32
    %dma_wait3A_360 = tpu.memref_slice %arg6[%dma_wait3A_359] : memref<288xi32, #tpu.memory_space<vmem>> -> memref<16xi32, #tpu.memory_space<vmem>>
    %dma_wait3A_361 = arith.constant 0 : i32
    %dma_wait3A_362 = arith.constant 0 : i32
    %dma_wait3A_363 = tpu.memref_slice %arg3[%dma_wait3A_361, %dma_wait3A_362] : memref<36864x768xf32, #tpu.memory_space<hbm>> -> memref<36864x768xf32, #tpu.memory_space<hbm>>
    tpu.wait_indirect_dma semaphore(%arg20 : memref<!tpu.dma_semaphore, #tpu.memory_space<semaphore_mem>>) src(%dma_wait3A_363 : memref<36864x768xf32, #tpu.memory_space<hbm>>) dst(%arg12 : memref<16x768xf32, #tpu.memory_space<vmem>>)
    %add3A_364 = arith.constant 80 : i32
    %add3A_365 = arith.addi %mul3A_2, %add3A_364 : i32
    %dma_start3A_366 = arith.constant 0 : i32
    %dma_start3A_367 = tpu.memref_slice %arg4[%add3A_365, %dma_start3A_366] : memref<9216x768xf32, #tpu.memory_space<hbm>> -> memref<16x768xf32, #tpu.memory_space<hbm>>
    %dma_start3A_368 = arith.constant 0 : i32
    %dma_start3A_369 = tpu.memref_slice %arg4[%add3A_365, %dma_start3A_368] : memref<9216x768xf32, #tpu.memory_space<hbm>> -> memref<16x768xf32, #tpu.memory_space<hbm>>
    tpu.enqueue_dma source(%arg12 : memref<16x768xf32, #tpu.memory_space<vmem>>) target(%dma_start3A_369 : memref<16x768xf32, #tpu.memory_space<hbm>>) target_semaphore(%arg28 : memref<!tpu.dma_semaphore, #tpu.memory_space<semaphore_mem>>)
    %add3A_370 = arith.constant 208 : i32
    %add3A_371 = arith.addi %mul3A_2, %add3A_370 : i32
    %rem3A_372 = arith.constant 64 : i32
    %rem3A_373 = arith.remsi %add3A_371, %rem3A_372 : i32
    %get3A_374 = arith.constant 208 : index
    %get3A_375 = tpu.vector_load %arg5[%get3A_374] {strides = array<i32>} : memref<288xi32, #tpu.memory_space<vmem>>, vector<16xi32>,
    %get3A_376 = vector.shape_cast %get3A_375 : vector<16xi32> to vector<16xi32>
    %mul3A_377 = arith.constant 64 : i32
    %mul3A_378 = vector.broadcast %mul3A_377 : i32 to vector<16xi32>
    %mul3A_379 = arith.muli %get3A_376, %mul3A_378 : vector<16xi32>
    %add3A_380 = vector.broadcast %rem3A_373 : i32 to vector<16xi32>
    %add3A_381 = arith.addi %mul3A_379, %add3A_380 : vector<16xi32>
    %add3A_382 = arith.addi %add3A_381, %iota3A : vector<16xi32>
    %swap3A_383 = arith.constant 208 : index
    %swap3A_384 = tpu.vector_load %arg6[%swap3A_383] {strides = array<i32>} : memref<288xi32, #tpu.memory_space<vmem>>, vector<16xi32>,
    %swap3A_385 = vector.shape_cast %swap3A_384 : vector<16xi32> to vector<16xi32>
    %swap3A_386 = vector.shape_cast %add3A_382 : vector<16xi32> to vector<16xi32>
    tpu.vector_store %arg6[%swap3A_383], %swap3A_386 {strides = array<i32>} : memref<288xi32, #tpu.memory_space<vmem>>, vector<16xi32>,
    %dma_wait3A_387 = arith.constant 0 : i32
    %dma_wait3A_388 = tpu.memref_slice %arg4[%add3A_365, %dma_wait3A_387] : memref<9216x768xf32, #tpu.memory_space<hbm>> -> memref<16x768xf32, #tpu.memory_space<hbm>>
    %dma_wait3A_389 = arith.constant 0 : i32
    %dma_wait3A_390 = tpu.memref_slice %arg4[%add3A_365, %dma_wait3A_389] : memref<9216x768xf32, #tpu.memory_space<hbm>> -> memref<16x768xf32, #tpu.memory_space<hbm>>
    tpu.wait_dma2 semaphore(%arg28 : memref<!tpu.dma_semaphore, #tpu.memory_space<semaphore_mem>>) src(%arg12 : memref<16x768xf32, #tpu.memory_space<vmem>>) dst(%dma_wait3A_390 : memref<16x768xf32, #tpu.memory_space<hbm>>)
    %dma_start3A_391 = arith.constant 208 : i32
    %dma_start3A_392 = tpu.memref_slice %arg6[%dma_start3A_391] : memref<288xi32, #tpu.memory_space<vmem>> -> memref<16xi32, #tpu.memory_space<vmem>>
    %dma_start3A_393 = arith.constant 0 : i32
    %dma_start3A_394 = arith.constant 0 : i32
    %dma_start3A_395 = tpu.memref_slice %arg3[%dma_start3A_393, %dma_start3A_394] : memref<36864x768xf32, #tpu.memory_space<hbm>> -> memref<36864x768xf32, #tpu.memory_space<hbm>>
    tpu.enqueue_indirect_dma source(%dma_start3A_395 : memref<36864x768xf32, #tpu.memory_space<hbm>>) target(%arg12 : memref<16x768xf32, #tpu.memory_space<vmem>>) offsets(%dma_start3A_392 : memref<16xi32, #tpu.memory_space<vmem>>) semaphore(%arg20 : memref<!tpu.dma_semaphore, #tpu.memory_space<semaphore_mem>>)
    %dma_wait3A_396 = arith.constant 96 : i32
    %dma_wait3A_397 = tpu.memref_slice %arg6[%dma_wait3A_396] : memref<288xi32, #tpu.memory_space<vmem>> -> memref<16xi32, #tpu.memory_space<vmem>>
    %dma_wait3A_398 = arith.constant 0 : i32
    %dma_wait3A_399 = arith.constant 0 : i32
    %dma_wait3A_400 = tpu.memref_slice %arg3[%dma_wait3A_398, %dma_wait3A_399] : memref<36864x768xf32, #tpu.memory_space<hbm>> -> memref<36864x768xf32, #tpu.memory_space<hbm>>
    tpu.wait_indirect_dma semaphore(%arg21 : memref<!tpu.dma_semaphore, #tpu.memory_space<semaphore_mem>>) src(%dma_wait3A_400 : memref<36864x768xf32, #tpu.memory_space<hbm>>) dst(%arg13 : memref<16x768xf32, #tpu.memory_space<vmem>>)
    %add3A_401 = arith.constant 96 : i32
    %add3A_402 = arith.addi %mul3A_2, %add3A_401 : i32
    %dma_start3A_403 = arith.constant 0 : i32
    %dma_start3A_404 = tpu.memref_slice %arg4[%add3A_402, %dma_start3A_403] : memref<9216x768xf32, #tpu.memory_space<hbm>> -> memref<16x768xf32, #tpu.memory_space<hbm>>
    %dma_start3A_405 = arith.constant 0 : i32
    %dma_start3A_406 = tpu.memref_slice %arg4[%add3A_402, %dma_start3A_405] : memref<9216x768xf32, #tpu.memory_space<hbm>> -> memref<16x768xf32, #tpu.memory_space<hbm>>
    tpu.enqueue_dma source(%arg13 : memref<16x768xf32, #tpu.memory_space<vmem>>) target(%dma_start3A_406 : memref<16x768xf32, #tpu.memory_space<hbm>>) target_semaphore(%arg29 : memref<!tpu.dma_semaphore, #tpu.memory_space<semaphore_mem>>)
    %add3A_407 = arith.constant 224 : i32
    %add3A_408 = arith.addi %mul3A_2, %add3A_407 : i32
    %rem3A_409 = arith.constant 64 : i32
    %rem3A_410 = arith.remsi %add3A_408, %rem3A_409 : i32
    %get3A_411 = arith.constant 224 : index
    %get3A_412 = tpu.vector_load %arg5[%get3A_411] {strides = array<i32>} : memref<288xi32, #tpu.memory_space<vmem>>, vector<16xi32>,
    %get3A_413 = vector.shape_cast %get3A_412 : vector<16xi32> to vector<16xi32>
    %mul3A_414 = arith.constant 64 : i32
    %mul3A_415 = vector.broadcast %mul3A_414 : i32 to vector<16xi32>
    %mul3A_416 = arith.muli %get3A_413, %mul3A_415 : vector<16xi32>
    %add3A_417 = vector.broadcast %rem3A_410 : i32 to vector<16xi32>
    %add3A_418 = arith.addi %mul3A_416, %add3A_417 : vector<16xi32>
    %add3A_419 = arith.addi %add3A_418, %iota3A : vector<16xi32>
    %swap3A_420 = arith.constant 224 : index
    %swap3A_421 = tpu.vector_load %arg6[%swap3A_420] {strides = array<i32>} : memref<288xi32, #tpu.memory_space<vmem>>, vector<16xi32>,
    %swap3A_422 = vector.shape_cast %swap3A_421 : vector<16xi32> to vector<16xi32>
    %swap3A_423 = vector.shape_cast %add3A_419 : vector<16xi32> to vector<16xi32>
    tpu.vector_store %arg6[%swap3A_420], %swap3A_423 {strides = array<i32>} : memref<288xi32, #tpu.memory_space<vmem>>, vector<16xi32>,
    %dma_wait3A_424 = arith.constant 0 : i32
    %dma_wait3A_425 = tpu.memref_slice %arg4[%add3A_402, %dma_wait3A_424] : memref<9216x768xf32, #tpu.memory_space<hbm>> -> memref<16x768xf32, #tpu.memory_space<hbm>>
    %dma_wait3A_426 = arith.constant 0 : i32
    %dma_wait3A_427 = tpu.memref_slice %arg4[%add3A_402, %dma_wait3A_426] : memref<9216x768xf32, #tpu.memory_space<hbm>> -> memref<16x768xf32, #tpu.memory_space<hbm>>
    tpu.wait_dma2 semaphore(%arg29 : memref<!tpu.dma_semaphore, #tpu.memory_space<semaphore_mem>>) src(%arg13 : memref<16x768xf32, #tpu.memory_space<vmem>>) dst(%dma_wait3A_427 : memref<16x768xf32, #tpu.memory_space<hbm>>)
    %dma_start3A_428 = arith.constant 224 : i32
    %dma_start3A_429 = tpu.memref_slice %arg6[%dma_start3A_428] : memref<288xi32, #tpu.memory_space<vmem>> -> memref<16xi32, #tpu.memory_space<vmem>>
    %dma_start3A_430 = arith.constant 0 : i32
    %dma_start3A_431 = arith.constant 0 : i32
    %dma_start3A_432 = tpu.memref_slice %arg3[%dma_start3A_430, %dma_start3A_431] : memref<36864x768xf32, #tpu.memory_space<hbm>> -> memref<36864x768xf32, #tpu.memory_space<hbm>>
    tpu.enqueue_indirect_dma source(%dma_start3A_432 : memref<36864x768xf32, #tpu.memory_space<hbm>>) target(%arg13 : memref<16x768xf32, #tpu.memory_space<vmem>>) offsets(%dma_start3A_429 : memref<16xi32, #tpu.memory_space<vmem>>) semaphore(%arg21 : memref<!tpu.dma_semaphore, #tpu.memory_space<semaphore_mem>>)
    %dma_wait3A_433 = arith.constant 112 : i32
    %dma_wait3A_434 = tpu.memref_slice %arg6[%dma_wait3A_433] : memref<288xi32, #tpu.memory_space<vmem>> -> memref<16xi32, #tpu.memory_space<vmem>>
    %dma_wait3A_435 = arith.constant 0 : i32
    %dma_wait3A_436 = arith.constant 0 : i32
    %dma_wait3A_437 = tpu.memref_slice %arg3[%dma_wait3A_435, %dma_wait3A_436] : memref<36864x768xf32, #tpu.memory_space<hbm>> -> memref<36864x768xf32, #tpu.memory_space<hbm>>
    tpu.wait_indirect_dma semaphore(%arg22 : memref<!tpu.dma_semaphore, #tpu.memory_space<semaphore_mem>>) src(%dma_wait3A_437 : memref<36864x768xf32, #tpu.memory_space<hbm>>) dst(%arg14 : memref<16x768xf32, #tpu.memory_space<vmem>>)
    %add3A_438 = arith.constant 112 : i32
    %add3A_439 = arith.addi %mul3A_2, %add3A_438 : i32
    %dma_start3A_440 = arith.constant 0 : i32
    %dma_start3A_441 = tpu.memref_slice %arg4[%add3A_439, %dma_start3A_440] : memref<9216x768xf32, #tpu.memory_space<hbm>> -> memref<16x768xf32, #tpu.memory_space<hbm>>
    %dma_start3A_442 = arith.constant 0 : i32
    %dma_start3A_443 = tpu.memref_slice %arg4[%add3A_439, %dma_start3A_442] : memref<9216x768xf32, #tpu.memory_space<hbm>> -> memref<16x768xf32, #tpu.memory_space<hbm>>
    tpu.enqueue_dma source(%arg14 : memref<16x768xf32, #tpu.memory_space<vmem>>) target(%dma_start3A_443 : memref<16x768xf32, #tpu.memory_space<hbm>>) target_semaphore(%arg30 : memref<!tpu.dma_semaphore, #tpu.memory_space<semaphore_mem>>)
    %add3A_444 = arith.constant 240 : i32
    %add3A_445 = arith.addi %mul3A_2, %add3A_444 : i32
    %rem3A_446 = arith.constant 64 : i32
    %rem3A_447 = arith.remsi %add3A_445, %rem3A_446 : i32
    %get3A_448 = arith.constant 240 : index
    %get3A_449 = tpu.vector_load %arg5[%get3A_448] {strides = array<i32>} : memref<288xi32, #tpu.memory_space<vmem>>, vector<16xi32>,
    %get3A_450 = vector.shape_cast %get3A_449 : vector<16xi32> to vector<16xi32>
    %mul3A_451 = arith.constant 64 : i32
    %mul3A_452 = vector.broadcast %mul3A_451 : i32 to vector<16xi32>
    %mul3A_453 = arith.muli %get3A_450, %mul3A_452 : vector<16xi32>
    %add3A_454 = vector.broadcast %rem3A_447 : i32 to vector<16xi32>
    %add3A_455 = arith.addi %mul3A_453, %add3A_454 : vector<16xi32>
    %add3A_456 = arith.addi %add3A_455, %iota3A : vector<16xi32>
    %swap3A_457 = arith.constant 240 : index
    %swap3A_458 = tpu.vector_load %arg6[%swap3A_457] {strides = array<i32>} : memref<288xi32, #tpu.memory_space<vmem>>, vector<16xi32>,
    %swap3A_459 = vector.shape_cast %swap3A_458 : vector<16xi32> to vector<16xi32>
    %swap3A_460 = vector.shape_cast %add3A_456 : vector<16xi32> to vector<16xi32>
    tpu.vector_store %arg6[%swap3A_457], %swap3A_460 {strides = array<i32>} : memref<288xi32, #tpu.memory_space<vmem>>, vector<16xi32>,
    %dma_wait3A_461 = arith.constant 0 : i32
    %dma_wait3A_462 = tpu.memref_slice %arg4[%add3A_439, %dma_wait3A_461] : memref<9216x768xf32, #tpu.memory_space<hbm>> -> memref<16x768xf32, #tpu.memory_space<hbm>>
    %dma_wait3A_463 = arith.constant 0 : i32
    %dma_wait3A_464 = tpu.memref_slice %arg4[%add3A_439, %dma_wait3A_463] : memref<9216x768xf32, #tpu.memory_space<hbm>> -> memref<16x768xf32, #tpu.memory_space<hbm>>
    tpu.wait_dma2 semaphore(%arg30 : memref<!tpu.dma_semaphore, #tpu.memory_space<semaphore_mem>>) src(%arg14 : memref<16x768xf32, #tpu.memory_space<vmem>>) dst(%dma_wait3A_464 : memref<16x768xf32, #tpu.memory_space<hbm>>)
    %dma_start3A_465 = arith.constant 240 : i32
    %dma_start3A_466 = tpu.memref_slice %arg6[%dma_start3A_465] : memref<288xi32, #tpu.memory_space<vmem>> -> memref<16xi32, #tpu.memory_space<vmem>>
    %dma_start3A_467 = arith.constant 0 : i32
    %dma_start3A_468 = arith.constant 0 : i32
    %dma_start3A_469 = tpu.memref_slice %arg3[%dma_start3A_467, %dma_start3A_468] : memref<36864x768xf32, #tpu.memory_space<hbm>> -> memref<36864x768xf32, #tpu.memory_space<hbm>>
    tpu.enqueue_indirect_dma source(%dma_start3A_469 : memref<36864x768xf32, #tpu.memory_space<hbm>>) target(%arg14 : memref<16x768xf32, #tpu.memory_space<vmem>>) offsets(%dma_start3A_466 : memref<16xi32, #tpu.memory_space<vmem>>) semaphore(%arg22 : memref<!tpu.dma_semaphore, #tpu.memory_space<semaphore_mem>>)
    %dma_wait3A_470 = arith.constant 128 : i32
    %dma_wait3A_471 = tpu.memref_slice %arg6[%dma_wait3A_470] : memref<288xi32, #tpu.memory_space<vmem>> -> memref<16xi32, #tpu.memory_space<vmem>>
    %dma_wait3A_472 = arith.constant 0 : i32
    %dma_wait3A_473 = arith.constant 0 : i32
    %dma_wait3A_474 = tpu.memref_slice %arg3[%dma_wait3A_472, %dma_wait3A_473] : memref<36864x768xf32, #tpu.memory_space<hbm>> -> memref<36864x768xf32, #tpu.memory_space<hbm>>
    tpu.wait_indirect_dma semaphore(%arg15 : memref<!tpu.dma_semaphore, #tpu.memory_space<semaphore_mem>>) src(%dma_wait3A_474 : memref<36864x768xf32, #tpu.memory_space<hbm>>) dst(%arg7 : memref<16x768xf32, #tpu.memory_space<vmem>>)
    %add3A_475 = arith.constant 128 : i32
    %add3A_476 = arith.addi %mul3A_2, %add3A_475 : i32
    %dma_start3A_477 = arith.constant 0 : i32
    %dma_start3A_478 = tpu.memref_slice %arg4[%add3A_476, %dma_start3A_477] : memref<9216x768xf32, #tpu.memory_space<hbm>> -> memref<16x768xf32, #tpu.memory_space<hbm>>
    %dma_start3A_479 = arith.constant 0 : i32
    %dma_start3A_480 = tpu.memref_slice %arg4[%add3A_476, %dma_start3A_479] : memref<9216x768xf32, #tpu.memory_space<hbm>> -> memref<16x768xf32, #tpu.memory_space<hbm>>
    tpu.enqueue_dma source(%arg7 : memref<16x768xf32, #tpu.memory_space<vmem>>) target(%dma_start3A_480 : memref<16x768xf32, #tpu.memory_space<hbm>>) target_semaphore(%arg23 : memref<!tpu.dma_semaphore, #tpu.memory_space<semaphore_mem>>)
    %add3A_481 = arith.constant 256 : i32
    %add3A_482 = arith.addi %mul3A_2, %add3A_481 : i32
    %rem3A_483 = arith.constant 64 : i32
    %rem3A_484 = arith.remsi %add3A_482, %rem3A_483 : i32
    %get3A_485 = arith.constant 256 : index
    %get3A_486 = tpu.vector_load %arg5[%get3A_485] {strides = array<i32>} : memref<288xi32, #tpu.memory_space<vmem>>, vector<16xi32>,
    %get3A_487 = vector.shape_cast %get3A_486 : vector<16xi32> to vector<16xi32>
    %mul3A_488 = arith.constant 64 : i32
    %mul3A_489 = vector.broadcast %mul3A_488 : i32 to vector<16xi32>
    %mul3A_490 = arith.muli %get3A_487, %mul3A_489 : vector<16xi32>
    %add3A_491 = vector.broadcast %rem3A_484 : i32 to vector<16xi32>
    %add3A_492 = arith.addi %mul3A_490, %add3A_491 : vector<16xi32>
    %add3A_493 = arith.addi %add3A_492, %iota3A : vector<16xi32>
    %swap3A_494 = arith.constant 256 : index
    %swap3A_495 = tpu.vector_load %arg6[%swap3A_494] {strides = array<i32>} : memref<288xi32, #tpu.memory_space<vmem>>, vector<16xi32>,
    %swap3A_496 = vector.shape_cast %swap3A_495 : vector<16xi32> to vector<16xi32>
    %swap3A_497 = vector.shape_cast %add3A_493 : vector<16xi32> to vector<16xi32>
    tpu.vector_store %arg6[%swap3A_494], %swap3A_497 {strides = array<i32>} : memref<288xi32, #tpu.memory_space<vmem>>, vector<16xi32>,
    %dma_wait3A_498 = arith.constant 0 : i32
    %dma_wait3A_499 = tpu.memref_slice %arg4[%add3A_476, %dma_wait3A_498] : memref<9216x768xf32, #tpu.memory_space<hbm>> -> memref<16x768xf32, #tpu.memory_space<hbm>>
    %dma_wait3A_500 = arith.constant 0 : i32
    %dma_wait3A_501 = tpu.memref_slice %arg4[%add3A_476, %dma_wait3A_500] : memref<9216x768xf32, #tpu.memory_space<hbm>> -> memref<16x768xf32, #tpu.memory_space<hbm>>
    tpu.wait_dma2 semaphore(%arg23 : memref<!tpu.dma_semaphore, #tpu.memory_space<semaphore_mem>>) src(%arg7 : memref<16x768xf32, #tpu.memory_space<vmem>>) dst(%dma_wait3A_501 : memref<16x768xf32, #tpu.memory_space<hbm>>)
    %dma_start3A_502 = arith.constant 256 : i32
    %dma_start3A_503 = tpu.memref_slice %arg6[%dma_start3A_502] : memref<288xi32, #tpu.memory_space<vmem>> -> memref<16xi32, #tpu.memory_space<vmem>>
    %dma_start3A_504 = arith.constant 0 : i32
    %dma_start3A_505 = arith.constant 0 : i32
    %dma_start3A_506 = tpu.memref_slice %arg3[%dma_start3A_504, %dma_start3A_505] : memref<36864x768xf32, #tpu.memory_space<hbm>> -> memref<36864x768xf32, #tpu.memory_space<hbm>>
    tpu.enqueue_indirect_dma source(%dma_start3A_506 : memref<36864x768xf32, #tpu.memory_space<hbm>>) target(%arg7 : memref<16x768xf32, #tpu.memory_space<vmem>>) offsets(%dma_start3A_503 : memref<16xi32, #tpu.memory_space<vmem>>) semaphore(%arg15 : memref<!tpu.dma_semaphore, #tpu.memory_space<semaphore_mem>>)
    %dma_wait3A_507 = arith.constant 144 : i32
    %dma_wait3A_508 = tpu.memref_slice %arg6[%dma_wait3A_507] : memref<288xi32, #tpu.memory_space<vmem>> -> memref<16xi32, #tpu.memory_space<vmem>>
    %dma_wait3A_509 = arith.constant 0 : i32
    %dma_wait3A_510 = arith.constant 0 : i32
    %dma_wait3A_511 = tpu.memref_slice %arg3[%dma_wait3A_509, %dma_wait3A_510] : memref<36864x768xf32, #tpu.memory_space<hbm>> -> memref<36864x768xf32, #tpu.memory_space<hbm>>
    tpu.wait_indirect_dma semaphore(%arg16 : memref<!tpu.dma_semaphore, #tpu.memory_space<semaphore_mem>>) src(%dma_wait3A_511 : memref<36864x768xf32, #tpu.memory_space<hbm>>) dst(%arg8 : memref<16x768xf32, #tpu.memory_space<vmem>>)
    %add3A_512 = arith.constant 144 : i32
    %add3A_513 = arith.addi %mul3A_2, %add3A_512 : i32
    %dma_start3A_514 = arith.constant 0 : i32
    %dma_start3A_515 = tpu.memref_slice %arg4[%add3A_513, %dma_start3A_514] : memref<9216x768xf32, #tpu.memory_space<hbm>> -> memref<16x768xf32, #tpu.memory_space<hbm>>
    %dma_start3A_516 = arith.constant 0 : i32
    %dma_start3A_517 = tpu.memref_slice %arg4[%add3A_513, %dma_start3A_516] : memref<9216x768xf32, #tpu.memory_space<hbm>> -> memref<16x768xf32, #tpu.memory_space<hbm>>
    tpu.enqueue_dma source(%arg8 : memref<16x768xf32, #tpu.memory_space<vmem>>) target(%dma_start3A_517 : memref<16x768xf32, #tpu.memory_space<hbm>>) target_semaphore(%arg24 : memref<!tpu.dma_semaphore, #tpu.memory_space<semaphore_mem>>)
    %add3A_518 = arith.constant 272 : i32
    %add3A_519 = arith.addi %mul3A_2, %add3A_518 : i32
    %rem3A_520 = arith.constant 64 : i32
    %rem3A_521 = arith.remsi %add3A_519, %rem3A_520 : i32
    %get3A_522 = arith.constant 272 : index
    %get3A_523 = tpu.vector_load %arg5[%get3A_522] {strides = array<i32>} : memref<288xi32, #tpu.memory_space<vmem>>, vector<16xi32>,
    %get3A_524 = vector.shape_cast %get3A_523 : vector<16xi32> to vector<16xi32>
    %mul3A_525 = arith.constant 64 : i32
    %mul3A_526 = vector.broadcast %mul3A_525 : i32 to vector<16xi32>
    %mul3A_527 = arith.muli %get3A_524, %mul3A_526 : vector<16xi32>
    %add3A_528 = vector.broadcast %rem3A_521 : i32 to vector<16xi32>
    %add3A_529 = arith.addi %mul3A_527, %add3A_528 : vector<16xi32>
    %add3A_530 = arith.addi %add3A_529, %iota3A : vector<16xi32>
    %swap3A_531 = arith.constant 272 : index
    %swap3A_532 = tpu.vector_load %arg6[%swap3A_531] {strides = array<i32>} : memref<288xi32, #tpu.memory_space<vmem>>, vector<16xi32>,
    %swap3A_533 = vector.shape_cast %swap3A_532 : vector<16xi32> to vector<16xi32>
    %swap3A_534 = vector.shape_cast %add3A_530 : vector<16xi32> to vector<16xi32>
    tpu.vector_store %arg6[%swap3A_531], %swap3A_534 {strides = array<i32>} : memref<288xi32, #tpu.memory_space<vmem>>, vector<16xi32>,
    %dma_wait3A_535 = arith.constant 0 : i32
    %dma_wait3A_536 = tpu.memref_slice %arg4[%add3A_513, %dma_wait3A_535] : memref<9216x768xf32, #tpu.memory_space<hbm>> -> memref<16x768xf32, #tpu.memory_space<hbm>>
    %dma_wait3A_537 = arith.constant 0 : i32
    %dma_wait3A_538 = tpu.memref_slice %arg4[%add3A_513, %dma_wait3A_537] : memref<9216x768xf32, #tpu.memory_space<hbm>> -> memref<16x768xf32, #tpu.memory_space<hbm>>
    tpu.wait_dma2 semaphore(%arg24 : memref<!tpu.dma_semaphore, #tpu.memory_space<semaphore_mem>>) src(%arg8 : memref<16x768xf32, #tpu.memory_space<vmem>>) dst(%dma_wait3A_538 : memref<16x768xf32, #tpu.memory_space<hbm>>)
    %dma_start3A_539 = arith.constant 272 : i32
    %dma_start3A_540 = tpu.memref_slice %arg6[%dma_start3A_539] : memref<288xi32, #tpu.memory_space<vmem>> -> memref<16xi32, #tpu.memory_space<vmem>>
    %dma_start3A_541 = arith.constant 0 : i32
    %dma_start3A_542 = arith.constant 0 : i32
    %dma_start3A_543 = tpu.memref_slice %arg3[%dma_start3A_541, %dma_start3A_542] : memref<36864x768xf32, #tpu.memory_space<hbm>> -> memref<36864x768xf32, #tpu.memory_space<hbm>>
    tpu.enqueue_indirect_dma source(%dma_start3A_543 : memref<36864x768xf32, #tpu.memory_space<hbm>>) target(%arg8 : memref<16x768xf32, #tpu.memory_space<vmem>>) offsets(%dma_start3A_540 : memref<16xi32, #tpu.memory_space<vmem>>) semaphore(%arg16 : memref<!tpu.dma_semaphore, #tpu.memory_space<semaphore_mem>>)
    %dma_wait3A_544 = arith.constant 160 : i32
    %dma_wait3A_545 = tpu.memref_slice %arg6[%dma_wait3A_544] : memref<288xi32, #tpu.memory_space<vmem>> -> memref<16xi32, #tpu.memory_space<vmem>>
    %dma_wait3A_546 = arith.constant 0 : i32
    %dma_wait3A_547 = arith.constant 0 : i32
    %dma_wait3A_548 = tpu.memref_slice %arg3[%dma_wait3A_546, %dma_wait3A_547] : memref<36864x768xf32, #tpu.memory_space<hbm>> -> memref<36864x768xf32, #tpu.memory_space<hbm>>
    tpu.wait_indirect_dma semaphore(%arg17 : memref<!tpu.dma_semaphore, #tpu.memory_space<semaphore_mem>>) src(%dma_wait3A_548 : memref<36864x768xf32, #tpu.memory_space<hbm>>) dst(%arg9 : memref<16x768xf32, #tpu.memory_space<vmem>>)
    %add3A_549 = arith.constant 160 : i32
    %add3A_550 = arith.addi %mul3A_2, %add3A_549 : i32
    %dma_start3A_551 = arith.constant 0 : i32
    %dma_start3A_552 = tpu.memref_slice %arg4[%add3A_550, %dma_start3A_551] : memref<9216x768xf32, #tpu.memory_space<hbm>> -> memref<16x768xf32, #tpu.memory_space<hbm>>
    %dma_start3A_553 = arith.constant 0 : i32
    %dma_start3A_554 = tpu.memref_slice %arg4[%add3A_550, %dma_start3A_553] : memref<9216x768xf32, #tpu.memory_space<hbm>> -> memref<16x768xf32, #tpu.memory_space<hbm>>
    tpu.enqueue_dma source(%arg9 : memref<16x768xf32, #tpu.memory_space<vmem>>) target(%dma_start3A_554 : memref<16x768xf32, #tpu.memory_space<hbm>>) target_semaphore(%arg25 : memref<!tpu.dma_semaphore, #tpu.memory_space<semaphore_mem>>)
    %dma_wait3A_555 = arith.constant 176 : i32
    %dma_wait3A_556 = tpu.memref_slice %arg6[%dma_wait3A_555] : memref<288xi32, #tpu.memory_space<vmem>> -> memref<16xi32, #tpu.memory_space<vmem>>
    %dma_wait3A_557 = arith.constant 0 : i32
    %dma_wait3A_558 = arith.constant 0 : i32
    %dma_wait3A_559 = tpu.memref_slice %arg3[%dma_wait3A_557, %dma_wait3A_558] : memref<36864x768xf32, #tpu.memory_space<hbm>> -> memref<36864x768xf32, #tpu.memory_space<hbm>>
    tpu.wait_indirect_dma semaphore(%arg18 : memref<!tpu.dma_semaphore, #tpu.memory_space<semaphore_mem>>) src(%dma_wait3A_559 : memref<36864x768xf32, #tpu.memory_space<hbm>>) dst(%arg10 : memref<16x768xf32, #tpu.memory_space<vmem>>)
    %add3A_560 = arith.constant 176 : i32
    %add3A_561 = arith.addi %mul3A_2, %add3A_560 : i32
    %dma_start3A_562 = arith.constant 0 : i32
    %dma_start3A_563 = tpu.memref_slice %arg4[%add3A_561, %dma_start3A_562] : memref<9216x768xf32, #tpu.memory_space<hbm>> -> memref<16x768xf32, #tpu.memory_space<hbm>>
    %dma_start3A_564 = arith.constant 0 : i32
    %dma_start3A_565 = tpu.memref_slice %arg4[%add3A_561, %dma_start3A_564] : memref<9216x768xf32, #tpu.memory_space<hbm>> -> memref<16x768xf32, #tpu.memory_space<hbm>>
    tpu.enqueue_dma source(%arg10 : memref<16x768xf32, #tpu.memory_space<vmem>>) target(%dma_start3A_565 : memref<16x768xf32, #tpu.memory_space<hbm>>) target_semaphore(%arg26 : memref<!tpu.dma_semaphore, #tpu.memory_space<semaphore_mem>>)
    %dma_wait3A_566 = arith.constant 192 : i32
    %dma_wait3A_567 = tpu.memref_slice %arg6[%dma_wait3A_566] : memref<288xi32, #tpu.memory_space<vmem>> -> memref<16xi32, #tpu.memory_space<vmem>>
    %dma_wait3A_568 = arith.constant 0 : i32
    %dma_wait3A_569 = arith.constant 0 : i32
    %dma_wait3A_570 = tpu.memref_slice %arg3[%dma_wait3A_568, %dma_wait3A_569] : memref<36864x768xf32, #tpu.memory_space<hbm>> -> memref<36864x768xf32, #tpu.memory_space<hbm>>
    tpu.wait_indirect_dma semaphore(%arg19 : memref<!tpu.dma_semaphore, #tpu.memory_space<semaphore_mem>>) src(%dma_wait3A_570 : memref<36864x768xf32, #tpu.memory_space<hbm>>) dst(%arg11 : memref<16x768xf32, #tpu.memory_space<vmem>>)
    %add3A_571 = arith.constant 192 : i32
    %add3A_572 = arith.addi %mul3A_2, %add3A_571 : i32
    %dma_start3A_573 = arith.constant 0 : i32
    %dma_start3A_574 = tpu.memref_slice %arg4[%add3A_572, %dma_start3A_573] : memref<9216x768xf32, #tpu.memory_space<hbm>> -> memref<16x768xf32, #tpu.memory_space<hbm>>
    %dma_start3A_575 = arith.constant 0 : i32
    %dma_start3A_576 = tpu.memref_slice %arg4[%add3A_572, %dma_start3A_575] : memref<9216x768xf32, #tpu.memory_space<hbm>> -> memref<16x768xf32, #tpu.memory_space<hbm>>
    tpu.enqueue_dma source(%arg11 : memref<16x768xf32, #tpu.memory_space<vmem>>) target(%dma_start3A_576 : memref<16x768xf32, #tpu.memory_space<hbm>>) target_semaphore(%arg27 : memref<!tpu.dma_semaphore, #tpu.memory_space<semaphore_mem>>)
    %dma_wait3A_577 = arith.constant 208 : i32
    %dma_wait3A_578 = tpu.memref_slice %arg6[%dma_wait3A_577] : memref<288xi32, #tpu.memory_space<vmem>> -> memref<16xi32, #tpu.memory_space<vmem>>
    %dma_wait3A_579 = arith.constant 0 : i32
    %dma_wait3A_580 = arith.constant 0 : i32
    %dma_wait3A_581 = tpu.memref_slice %arg3[%dma_wait3A_579, %dma_wait3A_580] : memref<36864x768xf32, #tpu.memory_space<hbm>> -> memref<36864x768xf32, #tpu.memory_space<hbm>>
    tpu.wait_indirect_dma semaphore(%arg20 : memref<!tpu.dma_semaphore, #tpu.memory_space<semaphore_mem>>) src(%dma_wait3A_581 : memref<36864x768xf32, #tpu.memory_space<hbm>>) dst(%arg12 : memref<16x768xf32, #tpu.memory_space<vmem>>)
    %add3A_582 = arith.constant 208 : i32
    %add3A_583 = arith.addi %mul3A_2, %add3A_582 : i32
    %dma_start3A_584 = arith.constant 0 : i32
    %dma_start3A_585 = tpu.memref_slice %arg4[%add3A_583, %dma_start3A_584] : memref<9216x768xf32, #tpu.memory_space<hbm>> -> memref<16x768xf32, #tpu.memory_space<hbm>>
    %dma_start3A_586 = arith.constant 0 : i32
    %dma_start3A_587 = tpu.memref_slice %arg4[%add3A_583, %dma_start3A_586] : memref<9216x768xf32, #tpu.memory_space<hbm>> -> memref<16x768xf32, #tpu.memory_space<hbm>>
    tpu.enqueue_dma source(%arg12 : memref<16x768xf32, #tpu.memory_space<vmem>>) target(%dma_start3A_587 : memref<16x768xf32, #tpu.memory_space<hbm>>) target_semaphore(%arg28 : memref<!tpu.dma_semaphore, #tpu.memory_space<semaphore_mem>>)
    %dma_wait3A_588 = arith.constant 224 : i32
    %dma_wait3A_589 = tpu.memref_slice %arg6[%dma_wait3A_588] : memref<288xi32, #tpu.memory_space<vmem>> -> memref<16xi32, #tpu.memory_space<vmem>>
    %dma_wait3A_590 = arith.constant 0 : i32
    %dma_wait3A_591 = arith.constant 0 : i32
    %dma_wait3A_592 = tpu.memref_slice %arg3[%dma_wait3A_590, %dma_wait3A_591] : memref<36864x768xf32, #tpu.memory_space<hbm>> -> memref<36864x768xf32, #tpu.memory_space<hbm>>
    tpu.wait_indirect_dma semaphore(%arg21 : memref<!tpu.dma_semaphore, #tpu.memory_space<semaphore_mem>>) src(%dma_wait3A_592 : memref<36864x768xf32, #tpu.memory_space<hbm>>) dst(%arg13 : memref<16x768xf32, #tpu.memory_space<vmem>>)
    %add3A_593 = arith.constant 224 : i32
    %add3A_594 = arith.addi %mul3A_2, %add3A_593 : i32
    %dma_start3A_595 = arith.constant 0 : i32
    %dma_start3A_596 = tpu.memref_slice %arg4[%add3A_594, %dma_start3A_595] : memref<9216x768xf32, #tpu.memory_space<hbm>> -> memref<16x768xf32, #tpu.memory_space<hbm>>
    %dma_start3A_597 = arith.constant 0 : i32
    %dma_start3A_598 = tpu.memref_slice %arg4[%add3A_594, %dma_start3A_597] : memref<9216x768xf32, #tpu.memory_space<hbm>> -> memref<16x768xf32, #tpu.memory_space<hbm>>
    tpu.enqueue_dma source(%arg13 : memref<16x768xf32, #tpu.memory_space<vmem>>) target(%dma_start3A_598 : memref<16x768xf32, #tpu.memory_space<hbm>>) target_semaphore(%arg29 : memref<!tpu.dma_semaphore, #tpu.memory_space<semaphore_mem>>)
    %dma_wait3A_599 = arith.constant 240 : i32
    %dma_wait3A_600 = tpu.memref_slice %arg6[%dma_wait3A_599] : memref<288xi32, #tpu.memory_space<vmem>> -> memref<16xi32, #tpu.memory_space<vmem>>
    %dma_wait3A_601 = arith.constant 0 : i32
    %dma_wait3A_602 = arith.constant 0 : i32
    %dma_wait3A_603 = tpu.memref_slice %arg3[%dma_wait3A_601, %dma_wait3A_602] : memref<36864x768xf32, #tpu.memory_space<hbm>> -> memref<36864x768xf32, #tpu.memory_space<hbm>>
    tpu.wait_indirect_dma semaphore(%arg22 : memref<!tpu.dma_semaphore, #tpu.memory_space<semaphore_mem>>) src(%dma_wait3A_603 : memref<36864x768xf32, #tpu.memory_space<hbm>>) dst(%arg14 : memref<16x768xf32, #tpu.memory_space<vmem>>)
    %add3A_604 = arith.constant 240 : i32
    %add3A_605 = arith.addi %mul3A_2, %add3A_604 : i32
    %dma_start3A_606 = arith.constant 0 : i32
    %dma_start3A_607 = tpu.memref_slice %arg4[%add3A_605, %dma_start3A_606] : memref<9216x768xf32, #tpu.memory_space<hbm>> -> memref<16x768xf32, #tpu.memory_space<hbm>>
    %dma_start3A_608 = arith.constant 0 : i32
    %dma_start3A_609 = tpu.memref_slice %arg4[%add3A_605, %dma_start3A_608] : memref<9216x768xf32, #tpu.memory_space<hbm>> -> memref<16x768xf32, #tpu.memory_space<hbm>>
    tpu.enqueue_dma source(%arg14 : memref<16x768xf32, #tpu.memory_space<vmem>>) target(%dma_start3A_609 : memref<16x768xf32, #tpu.memory_space<hbm>>) target_semaphore(%arg30 : memref<!tpu.dma_semaphore, #tpu.memory_space<semaphore_mem>>)
    %dma_wait3A_610 = arith.constant 256 : i32
    %dma_wait3A_611 = tpu.memref_slice %arg6[%dma_wait3A_610] : memref<288xi32, #tpu.memory_space<vmem>> -> memref<16xi32, #tpu.memory_space<vmem>>
    %dma_wait3A_612 = arith.constant 0 : i32
    %dma_wait3A_613 = arith.constant 0 : i32
    %dma_wait3A_614 = tpu.memref_slice %arg3[%dma_wait3A_612, %dma_wait3A_613] : memref<36864x768xf32, #tpu.memory_space<hbm>> -> memref<36864x768xf32, #tpu.memory_space<hbm>>
    tpu.wait_indirect_dma semaphore(%arg15 : memref<!tpu.dma_semaphore, #tpu.memory_space<semaphore_mem>>) src(%dma_wait3A_614 : memref<36864x768xf32, #tpu.memory_space<hbm>>) dst(%arg7 : memref<16x768xf32, #tpu.memory_space<vmem>>)
    %add3A_615 = arith.constant 256 : i32
    %add3A_616 = arith.addi %mul3A_2, %add3A_615 : i32
    %dma_start3A_617 = arith.constant 0 : i32
    %dma_start3A_618 = tpu.memref_slice %arg4[%add3A_616, %dma_start3A_617] : memref<9216x768xf32, #tpu.memory_space<hbm>> -> memref<16x768xf32, #tpu.memory_space<hbm>>
    %dma_start3A_619 = arith.constant 0 : i32
    %dma_start3A_620 = tpu.memref_slice %arg4[%add3A_616, %dma_start3A_619] : memref<9216x768xf32, #tpu.memory_space<hbm>> -> memref<16x768xf32, #tpu.memory_space<hbm>>
    tpu.enqueue_dma source(%arg7 : memref<16x768xf32, #tpu.memory_space<vmem>>) target(%dma_start3A_620 : memref<16x768xf32, #tpu.memory_space<hbm>>) target_semaphore(%arg23 : memref<!tpu.dma_semaphore, #tpu.memory_space<semaphore_mem>>)
    %dma_wait3A_621 = arith.constant 272 : i32
    %dma_wait3A_622 = tpu.memref_slice %arg6[%dma_wait3A_621] : memref<288xi32, #tpu.memory_space<vmem>> -> memref<16xi32, #tpu.memory_space<vmem>>
    %dma_wait3A_623 = arith.constant 0 : i32
    %dma_wait3A_624 = arith.constant 0 : i32
    %dma_wait3A_625 = tpu.memref_slice %arg3[%dma_wait3A_623, %dma_wait3A_624] : memref<36864x768xf32, #tpu.memory_space<hbm>> -> memref<36864x768xf32, #tpu.memory_space<hbm>>
    tpu.wait_indirect_dma semaphore(%arg16 : memref<!tpu.dma_semaphore, #tpu.memory_space<semaphore_mem>>) src(%dma_wait3A_625 : memref<36864x768xf32, #tpu.memory_space<hbm>>) dst(%arg8 : memref<16x768xf32, #tpu.memory_space<vmem>>)
    %add3A_626 = arith.constant 272 : i32
    %add3A_627 = arith.addi %mul3A_2, %add3A_626 : i32
    %dma_start3A_628 = arith.constant 0 : i32
    %dma_start3A_629 = tpu.memref_slice %arg4[%add3A_627, %dma_start3A_628] : memref<9216x768xf32, #tpu.memory_space<hbm>> -> memref<16x768xf32, #tpu.memory_space<hbm>>
    %dma_start3A_630 = arith.constant 0 : i32
    %dma_start3A_631 = tpu.memref_slice %arg4[%add3A_627, %dma_start3A_630] : memref<9216x768xf32, #tpu.memory_space<hbm>> -> memref<16x768xf32, #tpu.memory_space<hbm>>
    tpu.enqueue_dma source(%arg8 : memref<16x768xf32, #tpu.memory_space<vmem>>) target(%dma_start3A_631 : memref<16x768xf32, #tpu.memory_space<hbm>>) target_semaphore(%arg24 : memref<!tpu.dma_semaphore, #tpu.memory_space<semaphore_mem>>)
    %dma_wait3A_632 = arith.constant 0 : i32
    %dma_wait3A_633 = tpu.memref_slice %arg4[%add3A_550, %dma_wait3A_632] : memref<9216x768xf32, #tpu.memory_space<hbm>> -> memref<16x768xf32, #tpu.memory_space<hbm>>
    %dma_wait3A_634 = arith.constant 0 : i32
    %dma_wait3A_635 = tpu.memref_slice %arg4[%add3A_550, %dma_wait3A_634] : memref<9216x768xf32, #tpu.memory_space<hbm>> -> memref<16x768xf32, #tpu.memory_space<hbm>>
    tpu.wait_dma2 semaphore(%arg25 : memref<!tpu.dma_semaphore, #tpu.memory_space<semaphore_mem>>) src(%arg9 : memref<16x768xf32, #tpu.memory_space<vmem>>) dst(%dma_wait3A_635 : memref<16x768xf32, #tpu.memory_space<hbm>>)
    %dma_wait3A_636 = arith.constant 0 : i32
    %dma_wait3A_637 = tpu.memref_slice %arg4[%add3A_561, %dma_wait3A_636] : memref<9216x768xf32, #tpu.memory_space<hbm>> -> memref<16x768xf32, #tpu.memory_space<hbm>>
    %dma_wait3A_638 = arith.constant 0 : i32
    %dma_wait3A_639 = tpu.memref_slice %arg4[%add3A_561, %dma_wait3A_638] : memref<9216x768xf32, #tpu.memory_space<hbm>> -> memref<16x768xf32, #tpu.memory_space<hbm>>
    tpu.wait_dma2 semaphore(%arg26 : memref<!tpu.dma_semaphore, #tpu.memory_space<semaphore_mem>>) src(%arg10 : memref<16x768xf32, #tpu.memory_space<vmem>>) dst(%dma_wait3A_639 : memref<16x768xf32, #tpu.memory_space<hbm>>)
    %dma_wait3A_640 = arith.constant 0 : i32
    %dma_wait3A_641 = tpu.memref_slice %arg4[%add3A_572, %dma_wait3A_640] : memref<9216x768xf32, #tpu.memory_space<hbm>> -> memref<16x768xf32, #tpu.memory_space<hbm>>
    %dma_wait3A_642 = arith.constant 0 : i32
    %dma_wait3A_643 = tpu.memref_slice %arg4[%add3A_572, %dma_wait3A_642] : memref<9216x768xf32, #tpu.memory_space<hbm>> -> memref<16x768xf32, #tpu.memory_space<hbm>>
    tpu.wait_dma2 semaphore(%arg27 : memref<!tpu.dma_semaphore, #tpu.memory_space<semaphore_mem>>) src(%arg11 : memref<16x768xf32, #tpu.memory_space<vmem>>) dst(%dma_wait3A_643 : memref<16x768xf32, #tpu.memory_space<hbm>>)
    %dma_wait3A_644 = arith.constant 0 : i32
    %dma_wait3A_645 = tpu.memref_slice %arg4[%add3A_583, %dma_wait3A_644] : memref<9216x768xf32, #tpu.memory_space<hbm>> -> memref<16x768xf32, #tpu.memory_space<hbm>>
    %dma_wait3A_646 = arith.constant 0 : i32
    %dma_wait3A_647 = tpu.memref_slice %arg4[%add3A_583, %dma_wait3A_646] : memref<9216x768xf32, #tpu.memory_space<hbm>> -> memref<16x768xf32, #tpu.memory_space<hbm>>
    tpu.wait_dma2 semaphore(%arg28 : memref<!tpu.dma_semaphore, #tpu.memory_space<semaphore_mem>>) src(%arg12 : memref<16x768xf32, #tpu.memory_space<vmem>>) dst(%dma_wait3A_647 : memref<16x768xf32, #tpu.memory_space<hbm>>)
    %dma_wait3A_648 = arith.constant 0 : i32
    %dma_wait3A_649 = tpu.memref_slice %arg4[%add3A_594, %dma_wait3A_648] : memref<9216x768xf32, #tpu.memory_space<hbm>> -> memref<16x768xf32, #tpu.memory_space<hbm>>
    %dma_wait3A_650 = arith.constant 0 : i32
    %dma_wait3A_651 = tpu.memref_slice %arg4[%add3A_594, %dma_wait3A_650] : memref<9216x768xf32, #tpu.memory_space<hbm>> -> memref<16x768xf32, #tpu.memory_space<hbm>>
    tpu.wait_dma2 semaphore(%arg29 : memref<!tpu.dma_semaphore, #tpu.memory_space<semaphore_mem>>) src(%arg13 : memref<16x768xf32, #tpu.memory_space<vmem>>) dst(%dma_wait3A_651 : memref<16x768xf32, #tpu.memory_space<hbm>>)
    %dma_wait3A_652 = arith.constant 0 : i32
    %dma_wait3A_653 = tpu.memref_slice %arg4[%add3A_605, %dma_wait3A_652] : memref<9216x768xf32, #tpu.memory_space<hbm>> -> memref<16x768xf32, #tpu.memory_space<hbm>>
    %dma_wait3A_654 = arith.constant 0 : i32
    %dma_wait3A_655 = tpu.memref_slice %arg4[%add3A_605, %dma_wait3A_654] : memref<9216x768xf32, #tpu.memory_space<hbm>> -> memref<16x768xf32, #tpu.memory_space<hbm>>
    tpu.wait_dma2 semaphore(%arg30 : memref<!tpu.dma_semaphore, #tpu.memory_space<semaphore_mem>>) src(%arg14 : memref<16x768xf32, #tpu.memory_space<vmem>>) dst(%dma_wait3A_655 : memref<16x768xf32, #tpu.memory_space<hbm>>)
    %dma_wait3A_656 = arith.constant 0 : i32
    %dma_wait3A_657 = tpu.memref_slice %arg4[%add3A_616, %dma_wait3A_656] : memref<9216x768xf32, #tpu.memory_space<hbm>> -> memref<16x768xf32, #tpu.memory_space<hbm>>
    %dma_wait3A_658 = arith.constant 0 : i32
    %dma_wait3A_659 = tpu.memref_slice %arg4[%add3A_616, %dma_wait3A_658] : memref<9216x768xf32, #tpu.memory_space<hbm>> -> memref<16x768xf32, #tpu.memory_space<hbm>>
    tpu.wait_dma2 semaphore(%arg23 : memref<!tpu.dma_semaphore, #tpu.memory_space<semaphore_mem>>) src(%arg7 : memref<16x768xf32, #tpu.memory_space<vmem>>) dst(%dma_wait3A_659 : memref<16x768xf32, #tpu.memory_space<hbm>>)
    %dma_wait3A_660 = arith.constant 0 : i32
    %dma_wait3A_661 = tpu.memref_slice %arg4[%add3A_627, %dma_wait3A_660] : memref<9216x768xf32, #tpu.memory_space<hbm>> -> memref<16x768xf32, #tpu.memory_space<hbm>>
    %dma_wait3A_662 = arith.constant 0 : i32
    %dma_wait3A_663 = tpu.memref_slice %arg4[%add3A_627, %dma_wait3A_662] : memref<9216x768xf32, #tpu.memory_space<hbm>> -> memref<16x768xf32, #tpu.memory_space<hbm>>
    tpu.wait_dma2 semaphore(%arg24 : memref<!tpu.dma_semaphore, #tpu.memory_space<semaphore_mem>>) src(%arg8 : memref<16x768xf32, #tpu.memory_space<vmem>>) dst(%dma_wait3A_663 : memref<16x768xf32, #tpu.memory_space<hbm>>)
    return
  }
}

</mosaic_0001>

<sc_bundles>
// kernel: kernel.3.cloned.1.call-start
scs
__scs_entry_jumppad:
0x0: {  	(pc) =	sbr.rel $0x88, $3  }
0x1: {  	(tag) =	ssettag $0x0;
	lr =	simm.s32 $0x1  }
0x2: {  	[smem:$0x3F9E] =	sst lr;
	_ =	strace $0xD0000000  }
0x3: {  	_ = 	snop  }
0x4: {  	_ = 	snop  }
0x5: {  	_ = 	snop  }
0x6: {  	_ = 	snop  }
0x7: {  	_ = 	snop  }
__scs_overlays_trampoline_lowered:
0x8: {  	[smem:$0x3FAD] =	sst s0  }
0x9: {  	[smem:$0x3FAE] =	sst s1  }
0xa: {  	[smem:$0x3FAF] =	sst s2  }
0xb: {  	[smem:$0x3FB0] =	sst s3  }
0xc: {  	[smem:$0x3FB1] =	sst s4  }
0xd: {  	[smem:$0x3FB2] =	sst s5  }
0xe: {  	[smem:$0x3FB3] =	sst s6  }
0xf: {  	[smem:$0x3FB4] =	sst s7  }
0x10: {  	[smem:$0x3FB5] =	sst s8  }
0x11: {  	[smem:$0x3FB6] =	sst s9;
	s0 =	simm.s32 @!p0 $0x0  }
0x12: {  	s1 =	sld [smem:$0x3F9C];
	s0 =	simm.s32 @p0 $0x1  }
0x13: {  	[smem:$0x3FB7] =	sst s0;
	s0 =	simm.s32 @!p1 $0x0  }
0x14: {  	s2 =	sld [smem:$0x3F9B];
	s0 =	simm.s32 @p1 $0x1  }
0x15: {  	[smem:$0x3FB8] =	sst s0;
	s0 =	simm.s32 @!p2 $0x0  }
0x16: {  	s3 =	sld [smem:$0x3FDB];
	s0 =	simm.s32 @p2 $0x1  }
0x17: {  	s4 =	simm.s32 $0x1BF5;
	[smem:$0x3FBA] =	sst s0  }
0x18: {  	s0 =	sld [smem:$0x3F9D];
	_ =	swait.ge [sflag:s4], $0x0  }
0x19: {  	s7 =	sld [smem:$0x3F9E]  }
0x1a: {  	s8 =	sadd.s32 $0xFFFFE003, lr  }
0x1b: {  	s9 =	sadd.s32 $0xFFFFFEF7, lr;
	s5 =	simm.s32 $0xFFFFFFFF;
	p2 =	slt.u32 s8, $0xFFFFF086  }
0x1c: {  	p1 =	slt.u32 s9, $0xF7A;
	s5 =	simm.s32 @!p2 $0x0  }
0x1d: {  	s5 =	simm.s32 @p1 $0x1;
	p0 =	seq.s32 s7, s2  }
0x1e: {  	s7 =	smul.u32 @!p0 $0xF7A, s2;
	p2 =	seq.s32 @!p0 s5, $0x0  }
0x1f: {  	s9 =	smul.u32 $0xF7A, s1;
	s8 =	simm.s32 @!p0 $0x1BF5;
	p2 =	por !p2, p0  }
0x20: {  	[sflag:s8] =	ssyncset.s32 @!p0 $0xFFFFF086;
	s6 =	sadd.s32 @!p0 s3, s7;
	s7 =	simm.s32 @!p0 $0x108  }
0x21: {  	s3 =	sadd.s32 s3, s9;
	s6 =	sadd.s32 @!p0 $0x88, s6;
	s7 =	simm.s32 @p2 $0x1082  }
0x22: {  	[simem:s7], [sflag:s8] =	dma.local @!p0 [hbm:s6], $0xF7A  }
0x23: {  	s9 =	sor.u32 $0xD0000000, s2;
	s6 =	simm.s32 $0x108;
	_ =	swait.ge @!p0 [sflag:s8], $0x0  }
0x24: {  	s3 =	sadd.s32 $0x88, s3;
	s6 =	simm.s32 @!p1 $0x1082;
	[sflag:s4] =	ssyncset.s32 $0xFFFFF086  }
0x25: {  	[simem:s6], [sflag:s4] =	dma.local [hbm:s3], $0xF7A  }
0x26: {  	[smem:$0x3F9E] =	sst s1;
	(tag) =	ssettag s2;
	_ =	strace s9  }
0x27: {  	s1 =	sld [smem:$0x3FAE]  }
0x28: {  	s2 =	sld [smem:$0x3FAF]  }
0x29: {  	s4 =	sld [smem:$0x3FB1]  }
0x2a: {  	p0 =	seq.s32 s5, $0x0;
	s5 =	sld [smem:$0x3FB2]  }
0x2b: {  	s6 =	sld [smem:$0x3FB3]  }
0x2c: {  	s7 =	sld [smem:$0x3FB4]  }
0x2d: {  	s3 =	simm.s32 $0x108;
	s8 =	sld [smem:$0x3FB5]  }
0x2e: {  	s3 =	simm.s32 @!p0 $0x1082;
	s9 =	sld [smem:$0x3FB6]  }
0x2f: {  	lr =	sadd.s32 s0, s3;
	s0 =	sld [smem:$0x3FAD]  }
0x30: {  	s3 =	sld [smem:$0x3FB0]  }
0x31: {  	[smem:$0x3FB9] =	sst s10  }
0x32: {  	s10 =	sld [smem:$0x3FB7];
	_ =	sdelay $0x3  }
0x33: {  	p0 =	seq.s32 s10, $0x1;
	s10 =	sld [smem:$0x3FB9];
	_ =	sdelay $0x3  }
0x34: {  	[smem:$0x3FB9] =	sst s10  }
0x35: {  	s10 =	sld [smem:$0x3FB8];
	_ =	sdelay $0x3  }
0x36: {  	p1 =	seq.s32 s10, $0x1;
	s10 =	sld [smem:$0x3FB9];
	_ =	sdelay $0x3  }
0x37: {  	[smem:$0x3FB9] =	sst s10  }
0x38: {  	s10 =	sld [smem:$0x3FBA]  }
0x39: {  	_ = 	snop;
	(pc) =	sbr.ind lr, $3  }
0x3a: {  	_ = 	snop  }
0x3b: {  	_ = 	snop  }
0x3c: {  	p2 =	seq.s32 s10, $0x1;
	s10 =	sld [smem:$0x3FB9]  }
0x3d: {  	_ =	shalt  }
0x3e: {  	_ =	shalt  }
0x3f: {  	_ =	shalt  }
0x40: {  	_ =	shalt  }
0x41: {  	_ =	shalt  }
0x42: {  	_ =	shalt  }
0x43: {  	_ =	shalt  }
0x44: {  	_ =	shalt  }
0x45: {  	_ =	shalt  }
0x46: {  	_ =	shalt  }
0x47: {  	_ =	shalt  }
0x48: {  	_ =	shalt  }
0x49: {  	_ =	shalt  }
0x4a: {  	_ =	shalt  }
0x4b: {  	_ =	shalt  }
0x4c: {  	_ =	shalt  }
0x4d: {  	_ =	shalt  }
0x4e: {  	_ =	shalt  }
0x4f: {  	_ =	shalt  }
0x50: {  	_ =	shalt  }
0x51: {  	_ =	shalt  }
0x52: {  	_ =	shalt  }
0x53: {  	_ =	shalt  }
0x54: {  	_ =	shalt  }
0x55: {  	_ =	shalt  }
0x56: {  	_ =	shalt  }
0x57: {  	_ =	shalt  }
0x58: {  	_ =	shalt  }
0x59: {  	_ =	shalt  }
0x5a: {  	_ =	shalt  }
0x5b: {  	_ =	shalt  }
0x5c: {  	_ =	shalt  }
0x5d: {  	_ =	shalt  }
0x5e: {  	_ =	shalt  }
0x5f: {  	_ =	shalt  }
0x60: {  	_ =	shalt  }
0x61: {  	_ =	shalt  }
0x62: {  	_ =	shalt  }
0x63: {  	_ =	shalt  }
0x64: {  	_ =	shalt  }
0x65: {  	_ =	shalt  }
0x66: {  	_ =	shalt  }
0x67: {  	_ =	shalt  }
0x68: {  	_ =	shalt  }
0x69: {  	_ =	shalt  }
0x6a: {  	_ =	shalt  }
0x6b: {  	_ =	shalt  }
0x6c: {  	_ =	shalt  }
0x6d: {  	_ =	shalt  }
0x6e: {  	_ =	shalt  }
0x6f: {  	_ =	shalt  }
0x70: {  	_ =	shalt  }
0x71: {  	_ =	shalt  }
0x72: {  	_ =	shalt  }
0x73: {  	_ =	shalt  }
0x74: {  	_ =	shalt  }
0x75: {  	_ =	shalt  }
0x76: {  	_ =	shalt  }
0x77: {  	_ =	shalt  }
0x78: {  	_ =	shalt  }
0x79: {  	_ =	shalt  }
0x7a: {  	_ =	shalt  }
0x7b: {  	_ =	shalt  }
0x7c: {  	_ =	shalt  }
0x7d: {  	_ =	shalt  }
0x7e: {  	_ =	shalt  }
0x7f: {  	_ =	shalt  }
0x80: {  	_ =	shalt  }
0x81: {  	_ =	shalt  }
0x82: {  	_ =	shalt  }
0x83: {  	_ =	shalt  }
0x84: {  	_ =	shalt  }
0x85: {  	_ =	shalt  }
0x86: {  	_ =	shalt  }
0x87: {  	_ =	shalt  }
.Lfunc_end0:
.L_simem_size_0:
called_computation_lowered:
.L_overlay_start_0:
0x88: {  	s2 =	sld [smem:$0x3FD9]  }
0x89: {  	s3 =	sld [smem:$0x3FFE];
	_ =	sdelay $0x1  }
0x8a: {  	s1 =	srdreg.scid  }
0x8b: {  	s0 =	sand.u32 $0x1, s1  }
0x8c: {  	s15 =	sshll.u32 s0, $0xA;
	s2 =	sadd.s32 s3, s2  }
0x8d: {  	s2 =	sadd.s32 s2, s15  }
0x8e: {  	[smem:$0x3FC5] =	sst s2  }
0x8f: {  	_ = 	snop  }
0x90: {  	s2 =	sld [smem:$0x3FD0];
	_ =	sdelay $0x2  }
0x91: {  	s4 =	simm.s32 $0xA;
	s5 =	simm.s32 $0x10;
	s16 =	sld [smem:$0x3FC9]  }
0x92: {  	[smem:s5], [sflag:s4] =	dma.local [hbm:s2], $0x1  }
0x93: {  	_ =	swait.eq [sflag:s4], $0x1  }
0x94: {  	[sflag:s4] =	ssyncset.done $0x0  }
0x95: {  	s17 =	sld [smem:$0x10];
	[sflag:s4] =	ssyncadd.s32 $0xFFFFFFFF  }
0x96: {  	s18 =	sld [smem:$0x11];
	(tm) =	ssettm $0x1  }
0x97: {  	s19 =	sld [smem:$0x3FFB];
	_ =	sdelay $0x3  }
0x98: {  	_ =	strace s19  }
0x99: {  	s5 =	sld [smem:$0x3FFC];
	_ =	sdelay $0x3  }
0x9a: {  	_ =	strace s5  }
0x9b: {  	s5 =	sld [smem:$0x3FFD];
	_ =	sdelay $0x3  }
0x9c: {  	_ =	strace s5  }
0x9d: {  	_ =	strace $0x8FFFFFFF  }
0x9e: {  	s20 =	sld [smem:$0x3FDB];
	_ =	sdelay $0x1  }
0x9f: {  	s6 =	simm.s32 $_scs_section_size  }
0xa0: {  	s7 =	simm.s32 $_size__tile_overlayer_lowered;
	s8 =	simm.s32 $_tile_overlayer_lowered  }
0xa1: {  	s23 =	simm.s32 $0x1BFF;
	s22 =	sshll.u32 s8, $0x1;
	s5 =	sadd.s32 s6, s20  }
0xa2: {  	s9 =	simm.s32 $0x0;
	s21 =	sshll.u32 s7, $0x1;
	s7 =	sadd.s32 s22, s5  }
0xa3: {  	[timem:s9], [sflag:s23] =	dma.local [hbm:s7], s21  }
0xa4: {  	_ =	swait.ge [sflag:s23], s21  }
0xa5: {  	s6 =	ssub.s32 $0x0, s21;
	[sflag:s23] =	ssyncset.done $0x0  }
0xa6: {  	[sflag:s23] =	ssyncadd.s32 s6;
	_ =	sdelay $0x1  }
0xa7: {  	s24 =	simm.s32 $0x1B8B  }
0xa8: {  	_ =	swait.ge [sflag:s24], $0x1  }
0xa9: {  	[sflag:s24] =	ssyncset.done $0x0  }
0xaa: {  	s25 =	simm.s32 $0x1B8E;
	[sflag:s24] =	ssyncadd.s32 $0xFFFFFFFF  }
0xab: {  	s26 =	simm.s32 $execute0_lowered;
	[smem:$0x3FD2] =	sst s25  }
0xac: {  	s6 =	sshll.u32 s26, $0x1;
	_ =	strace $0x80000046;
	[dreg:$0x1] =	wrdreg $0xFFFFFFFF  }
0xad: {  	s28 =	simm.s32 $_size_execute0_lowered;
	s5 =	sadd.s32 s5, s6;
	[dreg:$0x0] =	wrdreg $0x0  }
0xae: {  	s6 =	sshll.u32 s28, $0x1;
	[dreg:$0x2] =	wrdreg s5  }
0xaf: {  	[dreg:$0x3] =	wrdreg s6  }
0xb0: {  	[dreg:$0x4] =	wrdreg $0xC0  }
0xb1: {  	_ =	task [dreg:s9], $0x5FFFF  }
0xb2: {  	[dreg:$0x1] =	wrdreg $0xFFFFFFFF  }
0xb3: {  	[dreg:$0x0] =	wrdreg $0x60  }
0xb4: {  	[dreg:$0x2] =	wrdreg s18  }
0xb5: {  	[dreg:$0x3] =	wrdreg s16  }
0xb6: {  	[dreg:$0x4] =	wrdreg s17  }
0xb7: {  	[dreg:$0x5] =	wrdreg $0x9  }
0xb8: {  	_ =	task.clear_ibuf [dreg:s9], $0x6FFFF;
	_ =	strace $0x90000046  }
0xb9: {  	s29 =	simm.s32 $0x9;
	_ =	strace $0x80000048  }
0xba: {  	_ =	swait.ge [sflag:s29], $0x1  }
0xbb: {  	[sflag:s29] =	ssyncadd.s32 $0xFFFFFFFF  }
0xbc: {  	_ =	strace $0x90000048  }
0xbd: {  	_ =	sfence  }
0xbe: {  	s30 =	sld [smem:$0x0];
	_ =	sdelay $0x2  }
0xbf: {  	s31 =	sshll.u32 s1, $0xD;
	s1 =	sshrl.u32 s1, $0x2  }
0xc0: {  	s3 =	sand.u32 $0x4000, s31;
	s1 =	sadd.s32 s1, s30  }
0xc1: {  	s0 =	sor.u32 s3, s0;
	s1 =	sshll.u32 s1, $0x11  }
0xc2: {  	s0 =	sor.u32 s1, s0  }
0xc3: {  	s0 =	sadd.s32 $0x8F2B, s0  }
0xc4: {  	[sflag:s0] =	ssyncadd.remote.s32 $0x1  }
0xc5: {  	_ =	sfence.sel $0xFFFF  }
0xc6: {  	[dreg:$0x0] =	wrdreg $0xFFFFFFFF;
	(pc) =	sbr.abs _section_cstart, $3  }
0xc7: {  	[dreg:$0x1] =	wrdreg $0xFFFFFFFF  }
0xc8: {  	_ =	task.clear_ibuf [dreg:s9], $0x2FFFF;
	_ =	strace $0x9FFFFFFF  }
0xc9: {  	(tm) =	ssettm $0x7FFFFFFF  }
tec
execute0_lowered:
.L_overlay_start_1:
0x0: {  	(tag) =	ssettag $0x1  }
0x1: {  	s0 =	srdreg.scid;
	s4 =	rddreg [dreg:$0x0]  }
0x2: {  	s1 =	stileid.u32;
	s2 =	rddreg [dreg:$0x1]  }
0x3: {  	s31 =	simm.s32 $0x9;
	s0 =	sand.u32 $0x1, s0;
	s1 =	sshll.u32 s1, $0x1  }
0x4: {  	s3 =	sor.u32 s0, s1;
	s1 =	rddreg [dreg:$0x2];
	s0 =	ssub.s32 $0x2, s0  }
0x5: {  	s7 =	smul.u32 $0x120, s3;
	s3 =	simm.s32 $0x0;
	s5 =	sshrl.u32 s0, $0x1  }
0x6: {  	s29 =	simm.s32 $0x9B00;
	[smem:$0x7FF] =	sst s3;
	s6 =	ssub.s32 s0, s5  }
0x7: {  	s5 =	sadd.s32 $0x200, s2;
	s8 =	sshrl.u32 s7, $0x3;
	_ =	strace $0x80000047  }
0x8: {  	s0 =	sand.u32 $0x20, s7;
	s9 =	sor.u32 $0x10, s7;
	s10 =	sadd.s32 $0x20, s7  }
0x9: {  	s11 =	sadd.s32 $0x30, s7;
	s12 =	sadd.s32 $0x50, s7;
	s15 =	sadd.s32 $0x60, s7  }
0xa: {  	s18 =	sadd.s32 $0x70, s7;
	s4 =	sadd.s32 s4, s8;
	s22 =	sand.u32 $0x30, s9  }
0xb: {  	s25 =	sand.u32 $0x20, s10;
	s13 =	sand.u32 $0x30, s11;
	s26 =	sand.u32 $0x30, s12  }
0xc: {  	s24 =	sand.u32 $0x20, s15;
	s8 =	smul.u32 $0x300, s8;
	s9 =	sshrl.u32 s9, $0x3  }
0xd: {  	s14 =	sand.u32 $0x30, s18;
	s10 =	sshrl.u32 s10, $0x3;
	s17 =	sshrl.u32 s11, $0x3  }
0xe: {  	s11 =	sadd.s32 $0x90, s7;
	s21 =	sshrl.u32 s12, $0x3;
	s9 =	smul.u32 $0x300, s9  }
0xf: {  	v16 =	vlaneseq.u32;
	s23 =	sshrl.u32 s15, $0x3;
	s18 =	sshrl.u32 s18, $0x3;
	s30 =	smul.u32 $0x300, s10  }
0x10: {  	v0 =	vor.u32 s0, v16;
	s0 =	simm.s32 $0x2;
	[dreg:$0x4] =	wrdreg s4;
	s10 =	smul.u32 $0x300, s17  }
0x11: {  	s4 =	sadd.s32 $0x100, s2;
	s16 =	sand.u32 $0x30, s11;
	s12 =	smul.u32 $0x300, s23  }
0x12: {  	s11 =	sshrl.u32 s11, $0x3;
	v1 =	vor.u32 s22, v16;
	v5 =	vor.u32 s24, v16;
	s22 =	simm.s32 $0xA;
	s24 =	simm.s32 $0x3300  }
0x13: {  	s20 =	sadd.s32 s1, s8;
	s23 =	smul.u32 $0x300, s11;
	s11 =	sadd.s32 $0xD0, s7  }
0x14: {  	s9 =	sadd.s32 s1, s9;
	s8 =	sadd.s32 s1, s30;
	[dreg:$0x16] =	wrdreg s20  }
0x15: {  	s19 =	sadd.s32 s1, s10;
	s10 =	sadd.s32 $0xB0, s7;
	[dreg:$0x5] =	wrdreg s9  }
0x16: {  	s28 =	sadd.s32 $0x1800, s20;
	s30 =	smul.u32 $0x300, s18;
	[dreg:$0x6] =	wrdreg s8  }
0x17: {  	s18 =	sadd.s32 s1, s12;
	s12 =	sadd.s32 $0xF0, s7;
	[dreg:$0x7] =	wrdreg s19  }
0x18: {  	s15 =	sadd.s32 $0x4800, s20;
	s8 =	sadd.s32 $0xA0, s7;
	[dreg:$0x8] =	wrdreg s28  }
0x19: {  	s9 =	smul.u32 $0x300, s21;
	s21 =	sand.u32 $0x30, s10;
	[dreg:$0xa] =	wrdreg s18  }
0x1a: {  	s28 =	sadd.s32 $0x3000, s20;
	s10 =	sshrl.u32 s10, $0x3;
	[dreg:$0x10] =	wrdreg s15  }
0x1b: {  	s20 =	sadd.s32 $0x6000, s20;
	s17 =	sand.u32 $0x20, s8;
	[dreg:$0xc] =	wrdreg s28  }
0x1c: {  	s19 =	sadd.s32 s1, s30;
	s8 =	sshrl.u32 s8, $0x3;
	[dreg:$0x14] =	wrdreg s20  }
0x1d: {  	s10 =	smul.u32 $0x300, s10;
	s9 =	sadd.s32 s1, s9;
	[dreg:$0xb] =	wrdreg s19  }
0x1e: {  	s8 =	smul.u32 $0x300, s8;
	[dreg:$0x9] =	wrdreg s9;
	s9 =	sadd.s32 s1, s23  }
0x1f: {  	s30 =	sadd.s32 s1, s10;
	s10 =	sshrl.u32 s11, $0x3;
	s23 =	sshrl.u32 s12, $0x3  }
0x20: {  	[dreg:$0xd] =	wrdreg s9;
	s8 =	sadd.s32 s1, s8;
	s9 =	sadd.s32 $0xE0, s7  }
0x21: {  	[dreg:$0xf] =	wrdreg s30;
	s7 =	sadd.s32 $0x110, s7;
	s15 =	smul.u32 $0x300, s23  }
0x22: {  	[dreg:$0xe] =	wrdreg s8;
	s8 =	smul.u32 $0x300, s10;
	s18 =	sshrl.u32 s9, $0x3  }
0x23: {  	v15 =	vshrl.u32 v16, $0x3;
	s30 =	sshrl.u32 s7, $0x3;
	s23 =	sand.u32 $0x20, s9;
	s19 =	smul.u32 $0x300, s18  }
0x24: {  	vm0 =	vmmov $0xffff;
	v14 =	vand.u32 $0x7, v16;
	v15 =	vmul.u32 $0x8, v15;
	s15 =	sadd.s32 s1, s15;
	s18 =	sand.u32 $0x30, s11;
	s8 =	sadd.s32 s1, s8  }
0x25: {  	v2 =	vor.u32 s25, v16;
	v3 =	vor.u32 s13, v16;
	v4 =	vor.u32 s26, v16;
	[dreg:$0x13] =	wrdreg s15;
	s28 =	sadd.s32 s1, s19;
	s19 =	smul.u32 $0x300, s30  }
0x26: {  	v6 =	vor.u32 s14, v16;
	v7 =	vor.u32 s16, v16;
	v9 =	vor.u32 s21, v16;
	[dreg:$0x11] =	wrdreg s8;
	s30 =	sand.u32 $0x30, s7;
	s7 =	smax.u32 s6, $0x1  }
0x27: {  	v8 =	vor.u32 s17, v16;
	v11 =	vor.u32 s23, v16;
	v10 =	vor.u32 s18, v16;
	[dreg:$0x12] =	wrdreg s28;
	s28 =	sand.u32 $0x30, s12;
	s1 =	sadd.s32 s1, s19  }
0x28: {  	s12 =	simm.s32 $0x1;
	v13 =	vor.u32 s30, v16;
	v12 =	vor.u32 s28, v16;
	v16 =	vor.u32 $0x8, v16;
	[dreg:$0x15] =	wrdreg s1;
	s1 =	simm.s32 $0x300  }
.LBB2_1:
0x29: {  	s19 =	rddreg [dreg:$0x4];
	s26 =	simm.s32 $0x11  }
0x2a: {  	[tilespmem:s3], [sflag:$0x11] =	stream.linear.gather [hbm4b:s19+s3], $0x120, $0x38;
	[tilespmem:$0x18300] =	vst v63  }
0x2b: {  	_ =	swait.ge [sflag:s26], $0x120  }
0x2c: {  	[sflag:s26] =	ssyncset.done $0x0  }
0x2d: {  	[sflag:s26] =	ssyncadd.s32 $0xFFFFFEE0  }
0x2e: {  	v17 =	vld [tilespmem:$0x0];
	_ =	sdelay $0x4  }
0x2f: {  	v17 =	vshll.u32 v17, $0x6  }
0x30: {  	v17 =	vor.u32 v0, v17  }
0x31: {  	v18 =	vshrl.u32 v17, $0x3  }
0x32: {  	v18 =	vmul.u32 $0x30, v18;
	_ =	sdelay $0x1  }
0x33: {  	v18 =	vor.u32 v14, v18  }
0x34: {  	v19 =	vperm.xlane v18, v14;
	_ =	sdelay $0x1  }
0x35: {  	v19 =	vadd.s32 v15, v19;
	_ =	sdelay $0x3  }
0x36: {  	[tilespmem:$0x180] =	vst v17;
	v17 =	vperm.xlane v18, v16  }
0x37: {  	[tilespmem:s1], [sflag:$0x1] =	stream.indirect_vreg.gather [hbm4b:s2+s3], $0x80, v19, vm0, $0xb8;
	[tilespmem:$0x18300] =	vst v63  }
0x38: {  	s6 =	simm.s32 $0xB00;
	v17 =	vadd.s32 v15, v17  }
0x39: {  	[tilespmem:s6], [sflag:$0x1] =	stream.indirect_vreg.gather [hbm4b:s4+s3], $0x80, v19, vm0, $0xb8;
	[tilespmem:$0x18300] =	vst v63  }
0x3a: {  	s28 =	simm.s32 $0x1300  }
0x3b: {  	[tilespmem:s28], [sflag:$0x1] =	stream.indirect_vreg.gather [hbm4b:s5+s3], $0x80, v19, vm0, $0xb8;
	[tilespmem:$0x18300] =	vst v63  }
0x3c: {  	s30 =	simm.s32 $0x1B00  }
0x3d: {  	[tilespmem:s30], [sflag:$0x1] =	stream.indirect_vreg.gather [hbm4b:s2+s3], $0x80, v17, vm0, $0xb8;
	[tilespmem:$0x18300] =	vst v63  }
0x3e: {  	s8 =	simm.s32 $0x2300  }
0x3f: {  	[tilespmem:s8], [sflag:$0x1] =	stream.indirect_vreg.gather [hbm4b:s4+s3], $0x80, v17, vm0, $0xb8;
	[tilespmem:$0x18300] =	vst v63  }
0x40: {  	s9 =	simm.s32 $0x2B00  }
0x41: {  	[tilespmem:s9], [sflag:$0x1] =	stream.indirect_vreg.gather [hbm4b:s5+s3], $0x80, v17, vm0, $0xb8;
	[tilespmem:$0x18300] =	vst v63  }
0x42: {  	v17 =	vld [tilespmem:$0x10];
	_ =	sdelay $0x4  }
0x43: {  	v17 =	vshll.u32 v17, $0x6  }
0x44: {  	v17 =	vor.u32 v1, v17  }
0x45: {  	v18 =	vshrl.u32 v17, $0x3  }
0x46: {  	v18 =	vmul.u32 $0x30, v18;
	_ =	sdelay $0x1  }
0x47: {  	v18 =	vor.u32 v14, v18  }
0x48: {  	v19 =	vperm.xlane v18, v14;
	_ =	sdelay $0x1  }
0x49: {  	v19 =	vadd.s32 v15, v19;
	_ =	sdelay $0x3  }
0x4a: {  	[tilespmem:$0x190] =	vst v17;
	v17 =	vperm.xlane v18, v16  }
0x4b: {  	[tilespmem:s24], [sflag:$0x2] =	stream.indirect_vreg.gather [hbm4b:s2+s3], $0x80, v19, vm0, $0xb8;
	[tilespmem:$0x18300] =	vst v63  }
0x4c: {  	s10 =	simm.s32 $0x3B00;
	v17 =	vadd.s32 v15, v17  }
0x4d: {  	[tilespmem:s10], [sflag:$0x2] =	stream.indirect_vreg.gather [hbm4b:s4+s3], $0x80, v19, vm0, $0xb8;
	[tilespmem:$0x18300] =	vst v63  }
0x4e: {  	s11 =	simm.s32 $0x4300  }
0x4f: {  	[tilespmem:s11], [sflag:$0x2] =	stream.indirect_vreg.gather [hbm4b:s5+s3], $0x80, v19, vm0, $0xb8;
	[tilespmem:$0x18300] =	vst v63  }
0x50: {  	s13 =	simm.s32 $0x4B00  }
0x51: {  	[tilespmem:s13], [sflag:$0x2] =	stream.indirect_vreg.gather [hbm4b:s2+s3], $0x80, v17, vm0, $0xb8;
	[tilespmem:$0x18300] =	vst v63  }
0x52: {  	s14 =	simm.s32 $0x5300  }
0x53: {  	[tilespmem:s14], [sflag:$0x2] =	stream.indirect_vreg.gather [hbm4b:s4+s3], $0x80, v17, vm0, $0xb8;
	[tilespmem:$0x18300] =	vst v63  }
0x54: {  	s15 =	simm.s32 $0x5B00  }
0x55: {  	[tilespmem:s15], [sflag:$0x2] =	stream.indirect_vreg.gather [hbm4b:s5+s3], $0x80, v17, vm0, $0xb8;
	[tilespmem:$0x18300] =	vst v63  }
0x56: {  	v17 =	vld [tilespmem:$0x20];
	_ =	sdelay $0x4  }
0x57: {  	v17 =	vshll.u32 v17, $0x6  }
0x58: {  	v17 =	vor.u32 v2, v17  }
0x59: {  	v18 =	vshrl.u32 v17, $0x3  }
0x5a: {  	v18 =	vmul.u32 $0x30, v18;
	_ =	sdelay $0x1  }
0x5b: {  	v18 =	vor.u32 v14, v18  }
0x5c: {  	v19 =	vperm.xlane v18, v14;
	_ =	sdelay $0x1  }
0x5d: {  	v19 =	vadd.s32 v15, v19;
	_ =	sdelay $0x3  }
0x5e: {  	s16 =	simm.s32 $0x6300;
	[tilespmem:$0x1A0] =	vst v17;
	v17 =	vperm.xlane v18, v16  }
0x5f: {  	[tilespmem:s16], [sflag:$0x3] =	stream.indirect_vreg.gather [hbm4b:s2+s3], $0x80, v19, vm0, $0xb8;
	[tilespmem:$0x18300] =	vst v63  }
0x60: {  	s9 =	simm.s32 $0x6B00;
	v17 =	vadd.s32 v15, v17  }
0x61: {  	[tilespmem:s9], [sflag:$0x3] =	stream.indirect_vreg.gather [hbm4b:s4+s3], $0x80, v19, vm0, $0xb8;
	[tilespmem:$0x18300] =	vst v63  }
0x62: {  	s23 =	simm.s32 $0x7300  }
0x63: {  	[tilespmem:s23], [sflag:$0x3] =	stream.indirect_vreg.gather [hbm4b:s5+s3], $0x80, v19, vm0, $0xb8;
	[tilespmem:$0x18300] =	vst v63  }
0x64: {  	s6 =	simm.s32 $0x7B00  }
0x65: {  	[tilespmem:s6], [sflag:$0x3] =	stream.indirect_vreg.gather [hbm4b:s2+s3], $0x80, v17, vm0, $0xb8;
	[tilespmem:$0x18300] =	vst v63  }
0x66: {  	s20 =	simm.s32 $0x8300  }
0x67: {  	[tilespmem:s20], [sflag:$0x3] =	stream.indirect_vreg.gather [hbm4b:s4+s3], $0x80, v17, vm0, $0xb8;
	[tilespmem:$0x18300] =	vst v63  }
0x68: {  	s21 =	simm.s32 $0x8B00  }
0x69: {  	[tilespmem:s21], [sflag:$0x3] =	stream.indirect_vreg.gather [hbm4b:s5+s3], $0x80, v17, vm0, $0xb8;
	[tilespmem:$0x18300] =	vst v63  }
0x6a: {  	v17 =	vld [tilespmem:$0x30];
	_ =	sdelay $0x4  }
0x6b: {  	v17 =	vshll.u32 v17, $0x6  }
0x6c: {  	v17 =	vor.u32 v3, v17  }
0x6d: {  	v18 =	vshrl.u32 v17, $0x3  }
0x6e: {  	v18 =	vmul.u32 $0x30, v18;
	_ =	sdelay $0x1  }
0x6f: {  	v18 =	vor.u32 v14, v18  }
0x70: {  	v19 =	vperm.xlane v18, v14;
	_ =	sdelay $0x1  }
0x71: {  	v19 =	vadd.s32 v15, v19;
	_ =	sdelay $0x3  }
0x72: {  	s8 =	simm.s32 $0x9300;
	[tilespmem:$0x1B0] =	vst v17;
	v17 =	vperm.xlane v18, v16  }
0x73: {  	[tilespmem:s8], [sflag:$0x4] =	stream.indirect_vreg.gather [hbm4b:s2+s3], $0x80, v19, vm0, $0xb8;
	[tilespmem:$0x18300] =	vst v63  }
0x74: {  	v17 =	vadd.s32 v15, v17  }
0x75: {  	[tilespmem:s29], [sflag:$0x4] =	stream.indirect_vreg.gather [hbm4b:s4+s3], $0x80, v19, vm0, $0xb8;
	[tilespmem:$0x18300] =	vst v63  }
0x76: {  	s25 =	simm.s32 $0xA300  }
0x77: {  	[tilespmem:s25], [sflag:$0x4] =	stream.indirect_vreg.gather [hbm4b:s5+s3], $0x80, v19, vm0, $0xb8;
	[tilespmem:$0x18300] =	vst v63  }
0x78: {  	s26 =	simm.s32 $0xAB00  }
0x79: {  	[tilespmem:s26], [sflag:$0x4] =	stream.indirect_vreg.gather [hbm4b:s2+s3], $0x80, v17, vm0, $0xb8;
	[tilespmem:$0x18300] =	vst v63  }
0x7a: {  	s11 =	simm.s32 $0xB300  }
0x7b: {  	[tilespmem:s11], [sflag:$0x4] =	stream.indirect_vreg.gather [hbm4b:s4+s3], $0x80, v17, vm0, $0xb8;
	[tilespmem:$0x18300] =	vst v63  }
0x7c: {  	s10 =	simm.s32 $0xBB00  }
0x7d: {  	[tilespmem:s10], [sflag:$0x4] =	stream.indirect_vreg.gather [hbm4b:s5+s3], $0x80, v17, vm0, $0xb8;
	[tilespmem:$0x18300] =	vst v63  }
0x7e: {  	v17 =	vld [tilespmem:$0x40];
	_ =	sdelay $0x4  }
0x7f: {  	v17 =	vshll.u32 v17, $0x6  }
0x80: {  	v17 =	vor.u32 v0, v17  }
0x81: {  	v18 =	vshrl.u32 v17, $0x3  }
0x82: {  	v18 =	vmul.u32 $0x30, v18;
	_ =	sdelay $0x1  }
0x83: {  	v18 =	vor.u32 v14, v18  }
0x84: {  	v19 =	vperm.xlane v18, v14;
	_ =	sdelay $0x1  }
0x85: {  	v19 =	vadd.s32 v15, v19;
	_ =	sdelay $0x3  }
0x86: {  	s17 =	simm.s32 $0xC300;
	[tilespmem:$0x1C0] =	vst v17;
	v17 =	vperm.xlane v18, v16  }
0x87: {  	[tilespmem:s17], [sflag:$0x5] =	stream.indirect_vreg.gather [hbm4b:s2+s3], $0x80, v19, vm0, $0xb8;
	[tilespmem:$0x18300] =	vst v63  }
0x88: {  	s15 =	simm.s32 $0xCB00;
	v17 =	vadd.s32 v15, v17  }
0x89: {  	[tilespmem:s15], [sflag:$0x5] =	stream.indirect_vreg.gather [hbm4b:s4+s3], $0x80, v19, vm0, $0xb8;
	[tilespmem:$0x18300] =	vst v63  }
0x8a: {  	s13 =	simm.s32 $0xD300  }
0x8b: {  	[tilespmem:s13], [sflag:$0x5] =	stream.indirect_vreg.gather [hbm4b:s5+s3], $0x80, v19, vm0, $0xb8;
	[tilespmem:$0x18300] =	vst v63  }
0x8c: {  	s14 =	simm.s32 $0xDB00  }
0x8d: {  	[tilespmem:s14], [sflag:$0x5] =	stream.indirect_vreg.gather [hbm4b:s2+s3], $0x80, v17, vm0, $0xb8;
	[tilespmem:$0x18300] =	vst v63  }
0x8e: {  	s16 =	simm.s32 $0xE300  }
0x8f: {  	[tilespmem:s16], [sflag:$0x5] =	stream.indirect_vreg.gather [hbm4b:s4+s3], $0x80, v17, vm0, $0xb8;
	[tilespmem:$0x18300] =	vst v63  }
0x90: {  	s17 =	simm.s32 $0xEB00  }
0x91: {  	[tilespmem:s17], [sflag:$0x5] =	stream.indirect_vreg.gather [hbm4b:s5+s3], $0x80, v17, vm0, $0xb8;
	[tilespmem:$0x18300] =	vst v63  }
0x92: {  	v17 =	vld [tilespmem:$0x50];
	_ =	sdelay $0x4  }
0x93: {  	v17 =	vshll.u32 v17, $0x6  }
0x94: {  	v17 =	vor.u32 v4, v17  }
0x95: {  	v18 =	vshrl.u32 v17, $0x3  }
0x96: {  	v18 =	vmul.u32 $0x30, v18;
	_ =	sdelay $0x1  }
0x97: {  	v18 =	vor.u32 v14, v18  }
0x98: {  	v19 =	vperm.xlane v18, v14;
	_ =	sdelay $0x1  }
0x99: {  	v19 =	vadd.s32 v15, v19;
	_ =	sdelay $0x3  }
0x9a: {  	s19 =	simm.s32 $0xF300;
	[tilespmem:$0x1D0] =	vst v17;
	v17 =	vperm.xlane v18, v16  }
0x9b: {  	[tilespmem:s19], [sflag:$0x6] =	stream.indirect_vreg.gather [hbm4b:s2+s3], $0x80, v19, vm0, $0xb8;
	[tilespmem:$0x18300] =	vst v63  }
0x9c: {  	v17 =	vadd.s32 v15, v17;
	s19 =	simm.s32 $0xFB00  }
0x9d: {  	[tilespmem:s19], [sflag:$0x6] =	stream.indirect_vreg.gather [hbm4b:s4+s3], $0x80, v19, vm0, $0xb8;
	[tilespmem:$0x18300] =	vst v63  }
0x9e: {  	s19 =	simm.s32 $0x10300  }
0x9f: {  	[tilespmem:s19], [sflag:$0x6] =	stream.indirect_vreg.gather [hbm4b:s5+s3], $0x80, v19, vm0, $0xb8;
	[tilespmem:$0x18300] =	vst v63  }
0xa0: {  	s19 =	simm.s32 $0x10B00  }
0xa1: {  	[tilespmem:s19], [sflag:$0x6] =	stream.indirect_vreg.gather [hbm4b:s2+s3], $0x80, v17, vm0, $0xb8;
	[tilespmem:$0x18300] =	vst v63  }
0xa2: {  	s19 =	simm.s32 $0x11300  }
0xa3: {  	[tilespmem:s19], [sflag:$0x6] =	stream.indirect_vreg.gather [hbm4b:s4+s3], $0x80, v17, vm0, $0xb8;
	[tilespmem:$0x18300] =	vst v63  }
0xa4: {  	s19 =	simm.s32 $0x11B00  }
0xa5: {  	[tilespmem:s19], [sflag:$0x6] =	stream.indirect_vreg.gather [hbm4b:s5+s3], $0x80, v17, vm0, $0xb8;
	[tilespmem:$0x18300] =	vst v63  }
0xa6: {  	v17 =	vld [tilespmem:$0x60];
	_ =	sdelay $0x4  }
0xa7: {  	v17 =	vshll.u32 v17, $0x6  }
0xa8: {  	v17 =	vor.u32 v5, v17  }
0xa9: {  	v18 =	vshrl.u32 v17, $0x3  }
0xaa: {  	v18 =	vmul.u32 $0x30, v18;
	_ =	sdelay $0x1  }
0xab: {  	v18 =	vor.u32 v14, v18  }
0xac: {  	v19 =	vperm.xlane v18, v14;
	_ =	sdelay $0x1  }
0xad: {  	v19 =	vadd.s32 v15, v19;
	_ =	sdelay $0x3  }
0xae: {  	s19 =	simm.s32 $0x12300;
	[tilespmem:$0x1E0] =	vst v17;
	v17 =	vperm.xlane v18, v16  }
0xaf: {  	[tilespmem:s19], [sflag:$0x7] =	stream.indirect_vreg.gather [hbm4b:s2+s3], $0x80, v19, vm0, $0xb8;
	[tilespmem:$0x18300] =	vst v63  }
0xb0: {  	v17 =	vadd.s32 v15, v17;
	s19 =	simm.s32 $0x12B00  }
0xb1: {  	[tilespmem:s19], [sflag:$0x7] =	stream.indirect_vreg.gather [hbm4b:s4+s3], $0x80, v19, vm0, $0xb8;
	[tilespmem:$0x18300] =	vst v63  }
0xb2: {  	s19 =	simm.s32 $0x13300  }
0xb3: {  	[tilespmem:s19], [sflag:$0x7] =	stream.indirect_vreg.gather [hbm4b:s5+s3], $0x80, v19, vm0, $0xb8;
	[tilespmem:$0x18300] =	vst v63  }
0xb4: {  	s19 =	simm.s32 $0x13B00  }
0xb5: {  	[tilespmem:s19], [sflag:$0x7] =	stream.indirect_vreg.gather [hbm4b:s2+s3], $0x80, v17, vm0, $0xb8;
	[tilespmem:$0x18300] =	vst v63  }
0xb6: {  	s19 =	simm.s32 $0x14300  }
0xb7: {  	[tilespmem:s19], [sflag:$0x7] =	stream.indirect_vreg.gather [hbm4b:s4+s3], $0x80, v17, vm0, $0xb8;
	[tilespmem:$0x18300] =	vst v63  }
0xb8: {  	s19 =	simm.s32 $0x14B00  }
0xb9: {  	[tilespmem:s19], [sflag:$0x7] =	stream.indirect_vreg.gather [hbm4b:s5+s3], $0x80, v17, vm0, $0xb8;
	[tilespmem:$0x18300] =	vst v63  }
0xba: {  	v17 =	vld [tilespmem:$0x70];
	_ =	sdelay $0x4  }
0xbb: {  	v17 =	vshll.u32 v17, $0x6  }
0xbc: {  	v17 =	vor.u32 v6, v17  }
0xbd: {  	v18 =	vshrl.u32 v17, $0x3  }
0xbe: {  	v18 =	vmul.u32 $0x30, v18;
	_ =	sdelay $0x1  }
0xbf: {  	v18 =	vor.u32 v14, v18  }
0xc0: {  	v19 =	vperm.xlane v18, v14;
	_ =	sdelay $0x1  }
0xc1: {  	v19 =	vadd.s32 v15, v19;
	_ =	sdelay $0x3  }
0xc2: {  	s8 =	simm.s32 $0x15300;
	[tilespmem:$0x1F0] =	vst v17;
	v17 =	vperm.xlane v18, v16  }
0xc3: {  	[tilespmem:s8], [sflag:$0x8] =	stream.indirect_vreg.gather [hbm4b:s2+s3], $0x80, v19, vm0, $0xb8;
	[tilespmem:$0x18300] =	vst v63  }
0xc4: {  	s19 =	simm.s32 $0x15B00;
	v17 =	vadd.s32 v15, v17  }
0xc5: {  	[tilespmem:s19], [sflag:$0x8] =	stream.indirect_vreg.gather [hbm4b:s4+s3], $0x80, v19, vm0, $0xb8;
	[tilespmem:$0x18300] =	vst v63  }
0xc6: {  	s19 =	simm.s32 $0x16300  }
0xc7: {  	[tilespmem:s19], [sflag:$0x8] =	stream.indirect_vreg.gather [hbm4b:s5+s3], $0x80, v19, vm0, $0xb8;
	[tilespmem:$0x18300] =	vst v63  }
0xc8: {  	s19 =	simm.s32 $0x16B00  }
0xc9: {  	[tilespmem:s19], [sflag:$0x8] =	stream.indirect_vreg.gather [hbm4b:s2+s3], $0x80, v17, vm0, $0xb8;
	[tilespmem:$0x18300] =	vst v63  }
0xca: {  	s19 =	simm.s32 $0x17300  }
0xcb: {  	[tilespmem:s19], [sflag:$0x8] =	stream.indirect_vreg.gather [hbm4b:s4+s3], $0x80, v17, vm0, $0xb8;
	[tilespmem:$0x18300] =	vst v63  }
0xcc: {  	s19 =	simm.s32 $0x17B00  }
0xcd: {  	[tilespmem:s19], [sflag:$0x8] =	stream.indirect_vreg.gather [hbm4b:s5+s3], $0x80, v17, vm0, $0xb8;
	[tilespmem:$0x18300] =	vst v63  }
0xce: {  	_ =	swait.ge [sflag:s12], $0x3000  }
0xcf: {  	[sflag:s12] =	ssyncset.done $0x0  }
0xd0: {  	s19 =	rddreg [dreg:$0x16];
	[sflag:s12] =	ssyncadd.s32 $0xFFFFD000  }
0xd1: {  	[hbm4b:s19+s3] =	stream.linear.scatter [tilespmem:s1], [sflag:$0x9], $0x3000, $0x38;
	[tilespmem:$0x18300] =	vst v63  }
0xd2: {  	v17 =	vld [tilespmem:$0x80];
	_ =	sdelay $0x4  }
0xd3: {  	v17 =	vshll.u32 v17, $0x6  }
0xd4: {  	v17 =	vor.u32 v0, v17  }
0xd5: {  	v18 =	vshrl.u32 v17, $0x3  }
0xd6: {  	v18 =	vmul.u32 $0x30, v18;
	_ =	sdelay $0x1  }
0xd7: {  	v18 =	vor.u32 v14, v18  }
0xd8: {  	v19 =	vperm.xlane v18, v14;
	_ =	sdelay $0x1  }
0xd9: {  	v19 =	vadd.s32 v15, v19  }
0xda: {  	[tilespmem:$0x200] =	vst v17  }
0xdb: {  	_ =	swait.ge [sflag:s31], $0x3000  }
0xdc: {  	[sflag:s31] =	ssyncset.done $0x0  }
0xdd: {  	[sflag:s31] =	ssyncadd.s32 $0xFFFFD000;
	v17 =	vperm.xlane v18, v16  }
0xde: {  	[tilespmem:s1], [sflag:$0x1] =	stream.indirect_vreg.gather [hbm4b:s2+s3], $0x80, v19, vm0, $0xb8;
	[tilespmem:$0x18300] =	vst v63  }
0xdf: {  	s18 =	simm.s32 $0xB00;
	v17 =	vadd.s32 v15, v17  }
0xe0: {  	[tilespmem:s18], [sflag:$0x1] =	stream.indirect_vreg.gather [hbm4b:s4+s3], $0x80, v19, vm0, $0xb8;
	[tilespmem:$0x18300] =	vst v63  }
0xe1: {  	s19 =	simm.s32 $0x1300  }
0xe2: {  	[tilespmem:s19], [sflag:$0x1] =	stream.indirect_vreg.gather [hbm4b:s5+s3], $0x80, v19, vm0, $0xb8;
	[tilespmem:$0x18300] =	vst v63  }
0xe3: {  	s30 =	simm.s32 $0x1B00  }
0xe4: {  	[tilespmem:s30], [sflag:$0x1] =	stream.indirect_vreg.gather [hbm4b:s2+s3], $0x80, v17, vm0, $0xb8;
	[tilespmem:$0x18300] =	vst v63  }
0xe5: {  	s19 =	simm.s32 $0x2300  }
0xe6: {  	[tilespmem:s19], [sflag:$0x1] =	stream.indirect_vreg.gather [hbm4b:s4+s3], $0x80, v17, vm0, $0xb8;
	[tilespmem:$0x18300] =	vst v63  }
0xe7: {  	s28 =	simm.s32 $0x2B00  }
0xe8: {  	[tilespmem:s28], [sflag:$0x1] =	stream.indirect_vreg.gather [hbm4b:s5+s3], $0x80, v17, vm0, $0xb8;
	[tilespmem:$0x18300] =	vst v63  }
0xe9: {  	_ =	swait.ge [sflag:s0], $0x3000  }
0xea: {  	[sflag:s0] =	ssyncset.done $0x0  }
0xeb: {  	s30 =	rddreg [dreg:$0x5];
	[sflag:s0] =	ssyncadd.s32 $0xFFFFD000  }
0xec: {  	[hbm4b:s30+s3] =	stream.linear.scatter [tilespmem:s24], [sflag:$0xA], $0x3000, $0x38;
	[tilespmem:$0x18300] =	vst v63  }
0xed: {  	v17 =	vld [tilespmem:$0x90];
	_ =	sdelay $0x4  }
0xee: {  	v17 =	vshll.u32 v17, $0x6  }
0xef: {  	v17 =	vor.u32 v7, v17  }
0xf0: {  	v18 =	vshrl.u32 v17, $0x3  }
0xf1: {  	v18 =	vmul.u32 $0x30, v18;
	_ =	sdelay $0x1  }
0xf2: {  	v18 =	vor.u32 v14, v18  }
0xf3: {  	v19 =	vperm.xlane v18, v14;
	_ =	sdelay $0x1  }
0xf4: {  	v19 =	vadd.s32 v15, v19  }
0xf5: {  	[tilespmem:$0x210] =	vst v17  }
0xf6: {  	_ =	swait.ge [sflag:s22], $0x3000  }
0xf7: {  	[sflag:s22] =	ssyncset.done $0x0  }
0xf8: {  	[sflag:s22] =	ssyncadd.s32 $0xFFFFD000;
	v17 =	vperm.xlane v18, v16  }
0xf9: {  	[tilespmem:s24], [sflag:$0x2] =	stream.indirect_vreg.gather [hbm4b:s2+s3], $0x80, v19, vm0, $0xb8;
	[tilespmem:$0x18300] =	vst v63  }
0xfa: {  	s18 =	simm.s32 $0x3B00;
	v17 =	vadd.s32 v15, v17  }
0xfb: {  	[tilespmem:s18], [sflag:$0x2] =	stream.indirect_vreg.gather [hbm4b:s4+s3], $0x80, v19, vm0, $0xb8;
	[tilespmem:$0x18300] =	vst v63  }
0xfc: {  	s28 =	simm.s32 $0x4300  }
0xfd: {  	[tilespmem:s28], [sflag:$0x2] =	stream.indirect_vreg.gather [hbm4b:s5+s3], $0x80, v19, vm0, $0xb8;
	[tilespmem:$0x18300] =	vst v63  }
0xfe: {  	s30 =	simm.s32 $0x4B00  }
0xff: {  	[tilespmem:s30], [sflag:$0x2] =	stream.indirect_vreg.gather [hbm4b:s2+s3], $0x80, v17, vm0, $0xb8;
	[tilespmem:$0x18300] =	vst v63  }
0x100: {  	s18 =	simm.s32 $0x5300  }
0x101: {  	[tilespmem:s18], [sflag:$0x2] =	stream.indirect_vreg.gather [hbm4b:s4+s3], $0x80, v17, vm0, $0xb8;
	[tilespmem:$0x18300] =	vst v63  }
0x102: {  	s19 =	simm.s32 $0x5B00;
	s30 =	simm.s32 $0x3  }
0x103: {  	[tilespmem:s19], [sflag:$0x2] =	stream.indirect_vreg.gather [hbm4b:s5+s3], $0x80, v17, vm0, $0xb8;
	[tilespmem:$0x18300] =	vst v63  }
0x104: {  	_ =	swait.ge [sflag:s30], $0x3000  }
0x105: {  	[sflag:s30] =	ssyncset.done $0x0  }
0x106: {  	s18 =	simm.s32 $0x6300;
	s28 =	rddreg [dreg:$0x6];
	[sflag:s30] =	ssyncadd.s32 $0xFFFFD000  }
0x107: {  	[hbm4b:s28+s3] =	stream.linear.scatter [tilespmem:s18], [sflag:$0xB], $0x3000, $0x38;
	[tilespmem:$0x18300] =	vst v63  }
0x108: {  	v17 =	vld [tilespmem:$0xA0];
	_ =	sdelay $0x4  }
0x109: {  	v17 =	vshll.u32 v17, $0x6  }
0x10a: {  	v17 =	vor.u32 v8, v17  }
0x10b: {  	v18 =	vshrl.u32 v17, $0x3  }
0x10c: {  	v18 =	vmul.u32 $0x30, v18;
	_ =	sdelay $0x1  }
0x10d: {  	v18 =	vor.u32 v14, v18  }
0x10e: {  	v19 =	vperm.xlane v18, v14;
	_ =	sdelay $0x1  }
0x10f: {  	v19 =	vadd.s32 v15, v19  }
0x110: {  	s28 =	simm.s32 $0xB;
	[tilespmem:$0x220] =	vst v17  }
0x111: {  	_ =	swait.ge [sflag:s28], $0x3000  }
0x112: {  	[sflag:s28] =	ssyncset.done $0x0  }
0x113: {  	[sflag:s28] =	ssyncadd.s32 $0xFFFFD000;
	v17 =	vperm.xlane v18, v16  }
0x114: {  	[tilespmem:s18], [sflag:$0x3] =	stream.indirect_vreg.gather [hbm4b:s2+s3], $0x80, v19, vm0, $0xb8;
	[tilespmem:$0x18300] =	vst v63  }
0x115: {  	v17 =	vadd.s32 v15, v17  }
0x116: {  	[tilespmem:s9], [sflag:$0x3] =	stream.indirect_vreg.gather [hbm4b:s4+s3], $0x80, v19, vm0, $0xb8;
	[tilespmem:$0x18300] =	vst v63  }
0x117: {  	_ = 	snop  }
0x118: {  	[tilespmem:s23], [sflag:$0x3] =	stream.indirect_vreg.gather [hbm4b:s5+s3], $0x80, v19, vm0, $0xb8;
	[tilespmem:$0x18300] =	vst v63  }
0x119: {  	_ = 	snop  }
0x11a: {  	[tilespmem:s6], [sflag:$0x3] =	stream.indirect_vreg.gather [hbm4b:s2+s3], $0x80, v17, vm0, $0xb8;
	[tilespmem:$0x18300] =	vst v63  }
0x11b: {  	_ = 	snop  }
0x11c: {  	[tilespmem:s20], [sflag:$0x3] =	stream.indirect_vreg.gather [hbm4b:s4+s3], $0x80, v17, vm0, $0xb8;
	[tilespmem:$0x18300] =	vst v63  }
0x11d: {  	s6 =	simm.s32 $0x4  }
0x11e: {  	[tilespmem:s21], [sflag:$0x3] =	stream.indirect_vreg.gather [hbm4b:s5+s3], $0x80, v17, vm0, $0xb8;
	[tilespmem:$0x18300] =	vst v63  }
0x11f: {  	_ =	swait.ge [sflag:s6], $0x3000  }
0x120: {  	[sflag:s6] =	ssyncset.done $0x0  }
0x121: {  	s23 =	simm.s32 $0x9300;
	s21 =	rddreg [dreg:$0x7];
	[sflag:s6] =	ssyncadd.s32 $0xFFFFD000  }
0x122: {  	[hbm4b:s21+s3] =	stream.linear.scatter [tilespmem:s23], [sflag:$0xC], $0x3000, $0x38;
	[tilespmem:$0x18300] =	vst v63  }
0x123: {  	v17 =	vld [tilespmem:$0xB0];
	_ =	sdelay $0x4  }
0x124: {  	v17 =	vshll.u32 v17, $0x6  }
0x125: {  	v17 =	vor.u32 v9, v17  }
0x126: {  	v18 =	vshrl.u32 v17, $0x3  }
0x127: {  	v18 =	vmul.u32 $0x30, v18;
	_ =	sdelay $0x1  }
0x128: {  	v18 =	vor.u32 v14, v18  }
0x129: {  	v19 =	vperm.xlane v18, v14;
	_ =	sdelay $0x1  }
0x12a: {  	v19 =	vadd.s32 v15, v19  }
0x12b: {  	s9 =	simm.s32 $0xC;
	[tilespmem:$0x230] =	vst v17  }
0x12c: {  	_ =	swait.ge [sflag:s9], $0x3000  }
0x12d: {  	[sflag:s9] =	ssyncset.done $0x0  }
0x12e: {  	[sflag:s9] =	ssyncadd.s32 $0xFFFFD000;
	v17 =	vperm.xlane v18, v16  }
0x12f: {  	[tilespmem:s23], [sflag:$0x4] =	stream.indirect_vreg.gather [hbm4b:s2+s3], $0x80, v19, vm0, $0xb8;
	[tilespmem:$0x18300] =	vst v63  }
0x130: {  	v17 =	vadd.s32 v15, v17  }
0x131: {  	[tilespmem:s29], [sflag:$0x4] =	stream.indirect_vreg.gather [hbm4b:s4+s3], $0x80, v19, vm0, $0xb8;
	[tilespmem:$0x18300] =	vst v63  }
0x132: {  	_ = 	snop  }
0x133: {  	[tilespmem:s25], [sflag:$0x4] =	stream.indirect_vreg.gather [hbm4b:s5+s3], $0x80, v19, vm0, $0xb8;
	[tilespmem:$0x18300] =	vst v63  }
0x134: {  	_ = 	snop  }
0x135: {  	[tilespmem:s26], [sflag:$0x4] =	stream.indirect_vreg.gather [hbm4b:s2+s3], $0x80, v17, vm0, $0xb8;
	[tilespmem:$0x18300] =	vst v63  }
0x136: {  	_ = 	snop  }
0x137: {  	[tilespmem:s11], [sflag:$0x4] =	stream.indirect_vreg.gather [hbm4b:s4+s3], $0x80, v17, vm0, $0xb8;
	[tilespmem:$0x18300] =	vst v63  }
0x138: {  	_ = 	snop  }
0x139: {  	[tilespmem:s10], [sflag:$0x4] =	stream.indirect_vreg.gather [hbm4b:s5+s3], $0x80, v17, vm0, $0xb8;
	[tilespmem:$0x18300] =	vst v63  }
0x13a: {  	s10 =	simm.s32 $0x5  }
0x13b: {  	_ =	swait.ge [sflag:s10], $0x3000  }
0x13c: {  	[sflag:s10] =	ssyncset.done $0x0  }
0x13d: {  	s26 =	simm.s32 $0xC300;
	s25 =	rddreg [dreg:$0x8];
	[sflag:s10] =	ssyncadd.s32 $0xFFFFD000  }
0x13e: {  	[hbm4b:s25+s3] =	stream.linear.scatter [tilespmem:s26], [sflag:$0xD], $0x3000, $0x38;
	[tilespmem:$0x18300] =	vst v63  }
0x13f: {  	v17 =	vld [tilespmem:$0xC0];
	_ =	sdelay $0x4  }
0x140: {  	v17 =	vshll.u32 v17, $0x6  }
0x141: {  	v17 =	vor.u32 v0, v17  }
0x142: {  	v18 =	vshrl.u32 v17, $0x3  }
0x143: {  	v18 =	vmul.u32 $0x30, v18;
	_ =	sdelay $0x1  }
0x144: {  	v18 =	vor.u32 v14, v18  }
0x145: {  	v19 =	vperm.xlane v18, v14;
	_ =	sdelay $0x1  }
0x146: {  	v19 =	vadd.s32 v15, v19  }
0x147: {  	s11 =	simm.s32 $0xD;
	[tilespmem:$0x240] =	vst v17  }
0x148: {  	_ =	swait.ge [sflag:s11], $0x3000  }
0x149: {  	[sflag:s11] =	ssyncset.done $0x0  }
0x14a: {  	[sflag:s11] =	ssyncadd.s32 $0xFFFFD000;
	v17 =	vperm.xlane v18, v16  }
0x14b: {  	[tilespmem:s26], [sflag:$0x5] =	stream.indirect_vreg.gather [hbm4b:s2+s3], $0x80, v19, vm0, $0xb8;
	[tilespmem:$0x18300] =	vst v63  }
0x14c: {  	v17 =	vadd.s32 v15, v17  }
0x14d: {  	[tilespmem:s15], [sflag:$0x5] =	stream.indirect_vreg.gather [hbm4b:s4+s3], $0x80, v19, vm0, $0xb8;
	[tilespmem:$0x18300] =	vst v63  }
0x14e: {  	_ = 	snop  }
0x14f: {  	[tilespmem:s13], [sflag:$0x5] =	stream.indirect_vreg.gather [hbm4b:s5+s3], $0x80, v19, vm0, $0xb8;
	[tilespmem:$0x18300] =	vst v63  }
0x150: {  	_ = 	snop  }
0x151: {  	[tilespmem:s14], [sflag:$0x5] =	stream.indirect_vreg.gather [hbm4b:s2+s3], $0x80, v17, vm0, $0xb8;
	[tilespmem:$0x18300] =	vst v63  }
0x152: {  	_ = 	snop  }
0x153: {  	[tilespmem:s16], [sflag:$0x5] =	stream.indirect_vreg.gather [hbm4b:s4+s3], $0x80, v17, vm0, $0xb8;
	[tilespmem:$0x18300] =	vst v63  }
0x154: {  	s13 =	simm.s32 $0x6  }
0x155: {  	[tilespmem:s17], [sflag:$0x5] =	stream.indirect_vreg.gather [hbm4b:s5+s3], $0x80, v17, vm0, $0xb8;
	[tilespmem:$0x18300] =	vst v63  }
0x156: {  	_ =	swait.ge [sflag:s13], $0x3000  }
0x157: {  	[sflag:s13] =	ssyncset.done $0x0  }
0x158: {  	s23 =	simm.s32 $0xF300;
	s20 =	rddreg [dreg:$0x9];
	[sflag:s13] =	ssyncadd.s32 $0xFFFFD000  }
0x159: {  	[hbm4b:s20+s3] =	stream.linear.scatter [tilespmem:s23], [sflag:$0xE], $0x3000, $0x38;
	[tilespmem:$0x18300] =	vst v63  }
0x15a: {  	v17 =	vld [tilespmem:$0xD0];
	_ =	sdelay $0x4  }
0x15b: {  	v17 =	vshll.u32 v17, $0x6  }
0x15c: {  	v17 =	vor.u32 v10, v17  }
0x15d: {  	v18 =	vshrl.u32 v17, $0x3  }
0x15e: {  	v18 =	vmul.u32 $0x30, v18;
	_ =	sdelay $0x1  }
0x15f: {  	v18 =	vor.u32 v14, v18  }
0x160: {  	v19 =	vperm.xlane v18, v14;
	_ =	sdelay $0x1  }
0x161: {  	v19 =	vadd.s32 v15, v19  }
0x162: {  	s14 =	simm.s32 $0xE;
	[tilespmem:$0x250] =	vst v17  }
0x163: {  	_ =	swait.ge [sflag:s14], $0x3000  }
0x164: {  	[sflag:s14] =	ssyncset.done $0x0  }
0x165: {  	[sflag:s14] =	ssyncadd.s32 $0xFFFFD000;
	v17 =	vperm.xlane v18, v16  }
0x166: {  	[tilespmem:s23], [sflag:$0x6] =	stream.indirect_vreg.gather [hbm4b:s2+s3], $0x80, v19, vm0, $0xb8;
	[tilespmem:$0x18300] =	vst v63  }
0x167: {  	s25 =	simm.s32 $0xFB00;
	v17 =	vadd.s32 v15, v17  }
0x168: {  	[tilespmem:s25], [sflag:$0x6] =	stream.indirect_vreg.gather [hbm4b:s4+s3], $0x80, v19, vm0, $0xb8;
	[tilespmem:$0x18300] =	vst v63  }
0x169: {  	s26 =	simm.s32 $0x10300  }
0x16a: {  	[tilespmem:s26], [sflag:$0x6] =	stream.indirect_vreg.gather [hbm4b:s5+s3], $0x80, v19, vm0, $0xb8;
	[tilespmem:$0x18300] =	vst v63  }
0x16b: {  	s16 =	simm.s32 $0x10B00  }
0x16c: {  	[tilespmem:s16], [sflag:$0x6] =	stream.indirect_vreg.gather [hbm4b:s2+s3], $0x80, v17, vm0, $0xb8;
	[tilespmem:$0x18300] =	vst v63  }
0x16d: {  	s17 =	simm.s32 $0x11300  }
0x16e: {  	[tilespmem:s17], [sflag:$0x6] =	stream.indirect_vreg.gather [hbm4b:s4+s3], $0x80, v17, vm0, $0xb8;
	[tilespmem:$0x18300] =	vst v63  }
0x16f: {  	s19 =	simm.s32 $0x11B00;
	s15 =	simm.s32 $0x7  }
0x170: {  	[tilespmem:s19], [sflag:$0x6] =	stream.indirect_vreg.gather [hbm4b:s5+s3], $0x80, v17, vm0, $0xb8;
	[tilespmem:$0x18300] =	vst v63  }
0x171: {  	_ =	swait.ge [sflag:s15], $0x3000  }
0x172: {  	[sflag:s15] =	ssyncset.done $0x0  }
0x173: {  	s25 =	simm.s32 $0x12300;
	s20 =	rddreg [dreg:$0xa];
	[sflag:s15] =	ssyncadd.s32 $0xFFFFD000  }
0x174: {  	[hbm4b:s20+s3] =	stream.linear.scatter [tilespmem:s25], [sflag:$0xF], $0x3000, $0x38;
	[tilespmem:$0x18300] =	vst v63  }
0x175: {  	v17 =	vld [tilespmem:$0xE0];
	_ =	sdelay $0x4  }
0x176: {  	v17 =	vshll.u32 v17, $0x6  }
0x177: {  	v17 =	vor.u32 v11, v17  }
0x178: {  	v18 =	vshrl.u32 v17, $0x3  }
0x179: {  	v18 =	vmul.u32 $0x30, v18;
	_ =	sdelay $0x1  }
0x17a: {  	v18 =	vor.u32 v14, v18  }
0x17b: {  	v19 =	vperm.xlane v18, v14;
	_ =	sdelay $0x1  }
0x17c: {  	v19 =	vadd.s32 v15, v19  }
0x17d: {  	s16 =	simm.s32 $0xF;
	[tilespmem:$0x260] =	vst v17  }
0x17e: {  	_ =	swait.ge [sflag:s16], $0x3000  }
0x17f: {  	[sflag:s16] =	ssyncset.done $0x0  }
0x180: {  	[sflag:s16] =	ssyncadd.s32 $0xFFFFD000;
	v17 =	vperm.xlane v18, v16  }
0x181: {  	[tilespmem:s25], [sflag:$0x7] =	stream.indirect_vreg.gather [hbm4b:s2+s3], $0x80, v19, vm0, $0xb8;
	[tilespmem:$0x18300] =	vst v63  }
0x182: {  	s26 =	simm.s32 $0x12B00;
	v17 =	vadd.s32 v15, v17  }
0x183: {  	[tilespmem:s26], [sflag:$0x7] =	stream.indirect_vreg.gather [hbm4b:s4+s3], $0x80, v19, vm0, $0xb8;
	[tilespmem:$0x18300] =	vst v63  }
0x184: {  	s19 =	simm.s32 $0x13300  }
0x185: {  	[tilespmem:s19], [sflag:$0x7] =	stream.indirect_vreg.gather [hbm4b:s5+s3], $0x80, v19, vm0, $0xb8;
	[tilespmem:$0x18300] =	vst v63  }
0x186: {  	s20 =	simm.s32 $0x13B00  }
0x187: {  	[tilespmem:s20], [sflag:$0x7] =	stream.indirect_vreg.gather [hbm4b:s2+s3], $0x80, v17, vm0, $0xb8;
	[tilespmem:$0x18300] =	vst v63  }
0x188: {  	s26 =	simm.s32 $0x14300  }
0x189: {  	[tilespmem:s26], [sflag:$0x7] =	stream.indirect_vreg.gather [hbm4b:s4+s3], $0x80, v17, vm0, $0xb8;
	[tilespmem:$0x18300] =	vst v63  }
0x18a: {  	s17 =	simm.s32 $0x8;
	s19 =	simm.s32 $0x14B00  }
0x18b: {  	[tilespmem:s19], [sflag:$0x7] =	stream.indirect_vreg.gather [hbm4b:s5+s3], $0x80, v17, vm0, $0xb8;
	[tilespmem:$0x18300] =	vst v63  }
0x18c: {  	_ =	swait.ge [sflag:s17], $0x3000  }
0x18d: {  	[sflag:s17] =	ssyncset.done $0x0  }
0x18e: {  	s20 =	rddreg [dreg:$0xb];
	[sflag:s17] =	ssyncadd.s32 $0xFFFFD000  }
0x18f: {  	[hbm4b:s20+s3] =	stream.linear.scatter [tilespmem:s8], [sflag:$0x10], $0x3000, $0x38;
	[tilespmem:$0x18300] =	vst v63  }
0x190: {  	v17 =	vld [tilespmem:$0xF0];
	_ =	sdelay $0x4  }
0x191: {  	v17 =	vshll.u32 v17, $0x6  }
0x192: {  	v17 =	vor.u32 v12, v17  }
0x193: {  	v18 =	vshrl.u32 v17, $0x3  }
0x194: {  	v18 =	vmul.u32 $0x30, v18;
	_ =	sdelay $0x1  }
0x195: {  	v18 =	vor.u32 v14, v18  }
0x196: {  	v19 =	vperm.xlane v18, v14;
	_ =	sdelay $0x1  }
0x197: {  	v19 =	vadd.s32 v15, v19  }
0x198: {  	s20 =	simm.s32 $0x10;
	[tilespmem:$0x270] =	vst v17  }
0x199: {  	_ =	swait.ge [sflag:s20], $0x3000  }
0x19a: {  	[sflag:s20] =	ssyncset.done $0x0  }
0x19b: {  	[sflag:s20] =	ssyncadd.s32 $0xFFFFD000;
	v17 =	vperm.xlane v18, v16  }
0x19c: {  	[tilespmem:s8], [sflag:$0x8] =	stream.indirect_vreg.gather [hbm4b:s2+s3], $0x80, v19, vm0, $0xb8;
	[tilespmem:$0x18300] =	vst v63  }
0x19d: {  	s26 =	simm.s32 $0x15B00;
	v17 =	vadd.s32 v15, v17  }
0x19e: {  	[tilespmem:s26], [sflag:$0x8] =	stream.indirect_vreg.gather [hbm4b:s4+s3], $0x80, v19, vm0, $0xb8;
	[tilespmem:$0x18300] =	vst v63  }
0x19f: {  	s26 =	simm.s32 $0x16300  }
0x1a0: {  	[tilespmem:s26], [sflag:$0x8] =	stream.indirect_vreg.gather [hbm4b:s5+s3], $0x80, v19, vm0, $0xb8;
	[tilespmem:$0x18300] =	vst v63  }
0x1a1: {  	s26 =	simm.s32 $0x16B00  }
0x1a2: {  	[tilespmem:s26], [sflag:$0x8] =	stream.indirect_vreg.gather [hbm4b:s2+s3], $0x80, v17, vm0, $0xb8;
	[tilespmem:$0x18300] =	vst v63  }
0x1a3: {  	s26 =	simm.s32 $0x17300  }
0x1a4: {  	[tilespmem:s26], [sflag:$0x8] =	stream.indirect_vreg.gather [hbm4b:s4+s3], $0x80, v17, vm0, $0xb8;
	[tilespmem:$0x18300] =	vst v63  }
0x1a5: {  	s26 =	simm.s32 $0x17B00  }
0x1a6: {  	[tilespmem:s26], [sflag:$0x8] =	stream.indirect_vreg.gather [hbm4b:s5+s3], $0x80, v17, vm0, $0xb8;
	[tilespmem:$0x18300] =	vst v63  }
0x1a7: {  	_ =	swait.ge [sflag:s12], $0x3000  }
0x1a8: {  	[sflag:s12] =	ssyncset.done $0x0  }
0x1a9: {  	s26 =	rddreg [dreg:$0xc];
	[sflag:s12] =	ssyncadd.s32 $0xFFFFD000  }
0x1aa: {  	[hbm4b:s26+s3] =	stream.linear.scatter [tilespmem:s1], [sflag:$0x9], $0x3000, $0x38;
	[tilespmem:$0x18300] =	vst v63  }
0x1ab: {  	v17 =	vld [tilespmem:$0x100];
	_ =	sdelay $0x4  }
0x1ac: {  	v17 =	vshll.u32 v17, $0x6  }
0x1ad: {  	v17 =	vor.u32 v0, v17  }
0x1ae: {  	v18 =	vshrl.u32 v17, $0x3  }
0x1af: {  	v18 =	vmul.u32 $0x30, v18;
	_ =	sdelay $0x1  }
0x1b0: {  	v18 =	vor.u32 v14, v18  }
0x1b1: {  	v19 =	vperm.xlane v18, v14;
	_ =	sdelay $0x1  }
0x1b2: {  	v19 =	vadd.s32 v15, v19  }
0x1b3: {  	[tilespmem:$0x280] =	vst v17  }
0x1b4: {  	_ =	swait.ge [sflag:s31], $0x3000  }
0x1b5: {  	[sflag:s31] =	ssyncset.done $0x0  }
0x1b6: {  	[sflag:s31] =	ssyncadd.s32 $0xFFFFD000;
	v17 =	vperm.xlane v18, v16  }
0x1b7: {  	[tilespmem:s1], [sflag:$0x1] =	stream.indirect_vreg.gather [hbm4b:s2+s3], $0x80, v19, vm0, $0xb8;
	[tilespmem:$0x18300] =	vst v63  }
0x1b8: {  	s26 =	simm.s32 $0xB00;
	v17 =	vadd.s32 v15, v17  }
0x1b9: {  	[tilespmem:s26], [sflag:$0x1] =	stream.indirect_vreg.gather [hbm4b:s4+s3], $0x80, v19, vm0, $0xb8;
	[tilespmem:$0x18300] =	vst v63  }
0x1ba: {  	s26 =	simm.s32 $0x1300  }
0x1bb: {  	[tilespmem:s26], [sflag:$0x1] =	stream.indirect_vreg.gather [hbm4b:s5+s3], $0x80, v19, vm0, $0xb8;
	[tilespmem:$0x18300] =	vst v63  }
0x1bc: {  	s26 =	simm.s32 $0x1B00  }
0x1bd: {  	[tilespmem:s26], [sflag:$0x1] =	stream.indirect_vreg.gather [hbm4b:s2+s3], $0x80, v17, vm0, $0xb8;
	[tilespmem:$0x18300] =	vst v63  }
0x1be: {  	s26 =	simm.s32 $0x2300  }
0x1bf: {  	[tilespmem:s26], [sflag:$0x1] =	stream.indirect_vreg.gather [hbm4b:s4+s3], $0x80, v17, vm0, $0xb8;
	[tilespmem:$0x18300] =	vst v63  }
0x1c0: {  	s26 =	simm.s32 $0x2B00  }
0x1c1: {  	[tilespmem:s26], [sflag:$0x1] =	stream.indirect_vreg.gather [hbm4b:s5+s3], $0x80, v17, vm0, $0xb8;
	[tilespmem:$0x18300] =	vst v63  }
0x1c2: {  	_ =	swait.ge [sflag:s0], $0x3000  }
0x1c3: {  	[sflag:s0] =	ssyncset.done $0x0  }
0x1c4: {  	s26 =	rddreg [dreg:$0xd];
	[sflag:s0] =	ssyncadd.s32 $0xFFFFD000  }
0x1c5: {  	[hbm4b:s26+s3] =	stream.linear.scatter [tilespmem:s24], [sflag:$0xA], $0x3000, $0x38;
	[tilespmem:$0x18300] =	vst v63  }
0x1c6: {  	v17 =	vld [tilespmem:$0x110];
	_ =	sdelay $0x4  }
0x1c7: {  	v17 =	vshll.u32 v17, $0x6  }
0x1c8: {  	v17 =	vor.u32 v13, v17  }
0x1c9: {  	v18 =	vshrl.u32 v17, $0x3  }
0x1ca: {  	v18 =	vmul.u32 $0x30, v18;
	_ =	sdelay $0x1  }
0x1cb: {  	v18 =	vor.u32 v14, v18  }
0x1cc: {  	v19 =	vperm.xlane v18, v14;
	_ =	sdelay $0x1  }
0x1cd: {  	v19 =	vadd.s32 v15, v19  }
0x1ce: {  	[tilespmem:$0x290] =	vst v17  }
0x1cf: {  	_ =	swait.ge [sflag:s22], $0x3000  }
0x1d0: {  	[sflag:s22] =	ssyncset.done $0x0  }
0x1d1: {  	[sflag:s22] =	ssyncadd.s32 $0xFFFFD000;
	v17 =	vperm.xlane v18, v16  }
0x1d2: {  	[tilespmem:s24], [sflag:$0x2] =	stream.indirect_vreg.gather [hbm4b:s2+s3], $0x80, v19, vm0, $0xb8;
	[tilespmem:$0x18300] =	vst v63  }
0x1d3: {  	s26 =	simm.s32 $0x3B00;
	v17 =	vadd.s32 v15, v17  }
0x1d4: {  	[tilespmem:s26], [sflag:$0x2] =	stream.indirect_vreg.gather [hbm4b:s4+s3], $0x80, v19, vm0, $0xb8;
	[tilespmem:$0x18300] =	vst v63  }
0x1d5: {  	s26 =	simm.s32 $0x4300  }
0x1d6: {  	[tilespmem:s26], [sflag:$0x2] =	stream.indirect_vreg.gather [hbm4b:s5+s3], $0x80, v19, vm0, $0xb8;
	[tilespmem:$0x18300] =	vst v63  }
0x1d7: {  	s26 =	simm.s32 $0x4B00  }
0x1d8: {  	[tilespmem:s26], [sflag:$0x2] =	stream.indirect_vreg.gather [hbm4b:s2+s3], $0x80, v17, vm0, $0xb8;
	[tilespmem:$0x18300] =	vst v63  }
0x1d9: {  	s26 =	simm.s32 $0x5300  }
0x1da: {  	[tilespmem:s26], [sflag:$0x2] =	stream.indirect_vreg.gather [hbm4b:s4+s3], $0x80, v17, vm0, $0xb8;
	[tilespmem:$0x18300] =	vst v63  }
0x1db: {  	s26 =	simm.s32 $0x5B00  }
0x1dc: {  	[tilespmem:s26], [sflag:$0x2] =	stream.indirect_vreg.gather [hbm4b:s5+s3], $0x80, v17, vm0, $0xb8;
	[tilespmem:$0x18300] =	vst v63  }
0x1dd: {  	_ =	swait.ge [sflag:s30], $0x3000  }
0x1de: {  	[sflag:s30] =	ssyncset.done $0x0  }
0x1df: {  	s26 =	rddreg [dreg:$0xe];
	[sflag:s30] =	ssyncadd.s32 $0xFFFFD000;
	s30 =	simm.s32 $0x6300  }
0x1e0: {  	[hbm4b:s26+s3] =	stream.linear.scatter [tilespmem:s30], [sflag:$0xB], $0x3000, $0x38;
	[tilespmem:$0x18300] =	vst v63  }
0x1e1: {  	_ =	swait.ge [sflag:s6], $0x3000  }
0x1e2: {  	[sflag:s6] =	ssyncset.done $0x0  }
0x1e3: {  	s18 =	simm.s32 $0x9300;
	s30 =	rddreg [dreg:$0xf];
	[sflag:s6] =	ssyncadd.s32 $0xFFFFD000  }
0x1e4: {  	[hbm4b:s30+s3] =	stream.linear.scatter [tilespmem:s18], [sflag:$0xC], $0x3000, $0x38;
	[tilespmem:$0x18300] =	vst v63  }
0x1e5: {  	_ =	swait.ge [sflag:s10], $0x3000  }
0x1e6: {  	[sflag:s10] =	ssyncset.done $0x0  }
0x1e7: {  	s21 =	simm.s32 $0xC300;
	s18 =	rddreg [dreg:$0x10];
	[sflag:s10] =	ssyncadd.s32 $0xFFFFD000  }
0x1e8: {  	[hbm4b:s18+s3] =	stream.linear.scatter [tilespmem:s21], [sflag:$0xD], $0x3000, $0x38;
	[tilespmem:$0x18300] =	vst v63  }
0x1e9: {  	_ =	swait.ge [sflag:s13], $0x3000  }
0x1ea: {  	[sflag:s13] =	ssyncset.done $0x0  }
0x1eb: {  	s23 =	simm.s32 $0xF300;
	s21 =	rddreg [dreg:$0x11];
	[sflag:s13] =	ssyncadd.s32 $0xFFFFD000  }
0x1ec: {  	[hbm4b:s21+s3] =	stream.linear.scatter [tilespmem:s23], [sflag:$0xE], $0x3000, $0x38;
	[tilespmem:$0x18300] =	vst v63  }
0x1ed: {  	_ =	swait.ge [sflag:s15], $0x3000  }
0x1ee: {  	[sflag:s15] =	ssyncset.done $0x0  }
0x1ef: {  	s25 =	simm.s32 $0x12300;
	s23 =	rddreg [dreg:$0x12];
	[sflag:s15] =	ssyncadd.s32 $0xFFFFD000  }
0x1f0: {  	[hbm4b:s23+s3] =	stream.linear.scatter [tilespmem:s25], [sflag:$0xF], $0x3000, $0x38;
	[tilespmem:$0x18300] =	vst v63  }
0x1f1: {  	_ =	swait.ge [sflag:s17], $0x3000  }
0x1f2: {  	[sflag:s17] =	ssyncset.done $0x0  }
0x1f3: {  	s25 =	rddreg [dreg:$0x13];
	[sflag:s17] =	ssyncadd.s32 $0xFFFFD000  }
0x1f4: {  	[hbm4b:s25+s3] =	stream.linear.scatter [tilespmem:s8], [sflag:$0x10], $0x3000, $0x38;
	[tilespmem:$0x18300] =	vst v63  }
0x1f5: {  	_ =	swait.ge [sflag:s12], $0x3000  }
0x1f6: {  	[sflag:s12] =	ssyncset.done $0x0  }
0x1f7: {  	s26 =	rddreg [dreg:$0x14];
	[sflag:s12] =	ssyncadd.s32 $0xFFFFD000  }
0x1f8: {  	[hbm4b:s26+s3] =	stream.linear.scatter [tilespmem:s1], [sflag:$0x9], $0x3000, $0x38;
	[tilespmem:$0x18300] =	vst v63  }
0x1f9: {  	_ =	swait.ge [sflag:s0], $0x3000  }
0x1fa: {  	[sflag:s0] =	ssyncset.done $0x0  }
0x1fb: {  	s30 =	rddreg [dreg:$0x15];
	[sflag:s0] =	ssyncadd.s32 $0xFFFFD000  }
0x1fc: {  	[hbm4b:s30+s3] =	stream.linear.scatter [tilespmem:s24], [sflag:$0xA], $0x3000, $0x38;
	[tilespmem:$0x18300] =	vst v63  }
0x1fd: {  	_ =	swait.ge [sflag:s28], $0x3000  }
0x1fe: {  	[sflag:s28] =	ssyncset.done $0x0  }
0x1ff: {  	[sflag:s28] =	ssyncadd.s32 $0xFFFFD000  }
0x200: {  	_ =	swait.ge [sflag:s9], $0x3000  }
0x201: {  	[sflag:s9] =	ssyncset.done $0x0  }
0x202: {  	[sflag:s9] =	ssyncadd.s32 $0xFFFFD000  }
0x203: {  	_ =	swait.ge [sflag:s11], $0x3000  }
0x204: {  	[sflag:s11] =	ssyncset.done $0x0  }
0x205: {  	[sflag:s11] =	ssyncadd.s32 $0xFFFFD000  }
0x206: {  	_ =	swait.ge [sflag:s14], $0x3000  }
0x207: {  	[sflag:s14] =	ssyncset.done $0x0  }
0x208: {  	[sflag:s14] =	ssyncadd.s32 $0xFFFFD000  }
0x209: {  	_ =	swait.ge [sflag:s16], $0x3000  }
0x20a: {  	[sflag:s16] =	ssyncset.done $0x0  }
0x20b: {  	[sflag:s16] =	ssyncadd.s32 $0xFFFFD000  }
0x20c: {  	_ =	swait.ge [sflag:s20], $0x3000  }
0x20d: {  	[sflag:s20] =	ssyncset.done $0x0  }
0x20e: {  	[sflag:s20] =	ssyncadd.s32 $0xFFFFD000  }
0x20f: {  	p0 =	sne.s32 s7, $0x1;
	_ =	swait.ge [sflag:s31], $0x3000  }
.Ltmp0:
0x210: {  	[sflag:s31] =	ssyncset.done $0x0;
	(pc) =	sbr.rel @p0 .LBB2_1-.Ltmp0, $4  }
0x211: {  	[sflag:s31] =	ssyncadd.s32 $0xFFFFD000  }
0x212: {  	_ =	swait.ge [sflag:s22], $0x3000  }
0x213: {  	[sflag:s22] =	ssyncset.done $0x0  }
0x214: {  	s7 =	sadd.s32 $0xFFFFFFFF, s7;
	[sflag:s22] =	ssyncadd.s32 $0xFFFFD000  }
0x215: {  	_ =	sfence.sel $0x180000  }
0x216: {  	[bflag:$0x0] =	sbarrier.arrive $0xFFFF  }
0x217: {  	_ =	strace $0x90000047  }
0x218: {  	s0 =	stileid.u32;
	[bflag:$0x2] =	sbarrier.arrive $0xFFFF  }
0x219: {  	p0 =	sne.s32 s0, $0x0;
	s0 =	rddreg [dreg:$0x3]  }
0x21a: {  	s0 =	sadd.s32 @!p0 $0x100000, s0  }
0x21b: {  	[sflag:s0] =	ssyncadd.tile.s32 @!p0 $0x1;
	_ =	shalt  }
.Lfunc_end2:
_tile_overlayer_lowered:
.L_overlay_start_2:
0x21c: {  	(tag) =	ssettag $0x2  }
0x21d: {  	s0 =	rddreg [dreg:$0x0];
	s2 =	stileid.u32  }
0x21e: {  	s1 =	rddreg [dreg:$0x1];
	p0 =	sne.s32 s2, $0x0  }
0x21f: {  	s3 =	rddreg [dreg:$0x2];
	[bflag:$0x3] =	sbarrier.arrive $0xFFFF;
	s2 =	simm.s32 @!p0 $0x1C11  }
0x220: {  	[timem:s3], [sflag:s2] =	dma.local @!p0 [hbm:s0], s1  }
0x221: {  	s0 =	simm.s32 @!p0 $0x11  }
0x222: {  	_ =	swait.ge @!p0 [sflag:s0], s1  }
0x223: {  	s1 =	ssub.s32 @!p0 $0x0, s1;
	[sflag:s0] =	ssyncset.done @!p0 $0x0  }
0x224: {  	[sflag:s0] =	ssyncadd.s32 @!p0 s1  }
0x225: {  	[bflag:$0x3] =	sbarrier.arrive $0xFFFF  }
0x226: {  	_ =	shalt  }

</sc_bundles>
